<compile_context>
chip_gen: v7x
topology: tpu7x:2x2x1
jax: 0.10.2.dev20260603
libtpu: 0.0.44.dev20260713+nightly
codegen_flags: <defaults>
</compile_context>

<pallas_src>
import jax
import jax.numpy as jnp
from jax.experimental import pallas as pl
from jax.experimental.pallas import tpu as pltpu
from jax.experimental.pallas import tpu_sc as plsc

_EDGE_IN = 19
_N_OUT = 2
_SC_TILES = 32
_SLICES = 2
_TILE_LANES = 2560
_CHUNKS = _TILE_LANES // 16


def _sc_body(wb_hbm, et_hbm, o_hbm, wbuf, ebuf, obuf, sems):
    c = jax.lax.axis_index("c")
    s = jax.lax.axis_index("s")
    t = c * 16 + s
    max_off = et_hbm.shape[1] - _TILE_LANES

    cp_w = pltpu.make_async_copy(wb_hbm, wbuf, sems.at[0])
    cp_w.start()
    cp_w.wait()

    r0a = wbuf[0, pl.ds(0, 16)]
    r0b = wbuf[0, pl.ds(16, 16)]
    r1a = wbuf[1, pl.ds(0, 16)]
    r1b = wbuf[1, pl.ds(16, 16)]
    w0 = [r0a[k] if k < 16 else r0b[k - 16] for k in range(_EDGE_IN)]
    w1 = [r1a[k] if k < 16 else r1b[k - 16] for k in range(_EDGE_IN)]
    b0 = r0b[_EDGE_IN - 16]
    b1 = r1b[_EDGE_IN - 16]

    def chunk(i, carry):
        sl = pl.ds(i * 16, 16)
        acc0 = jnp.full((16,), b0, jnp.float32)
        acc1 = jnp.full((16,), b1, jnp.float32)
        for k in range(_EDGE_IN):
            v = ebuf[k, sl]
            acc0 = acc0 + v * w0[k]
            acc1 = acc1 + v * w1[k]
        obuf[0, sl] = acc0
        obuf[1, sl] = acc1
        return carry

    for r in range(_SLICES):
        j = t * _SLICES + r
        off = jnp.minimum(j * _TILE_LANES, max_off)
        cp_e = pltpu.make_async_copy(
            et_hbm.at[:, pl.ds(off, _TILE_LANES)], ebuf, sems.at[1]
        )
        cp_e.start()
        cp_e.wait()
        jax.lax.fori_loop(0, _CHUNKS, chunk, 0)
        cp_o = pltpu.make_async_copy(
            obuf, o_hbm.at[:, pl.ds(off, _TILE_LANES)], sems.at[2]
        )
        cp_o.start()
        cp_o.wait()


def kernel(x, edge_index, e, xbatch, bn_g0, bn_b0, W00, b00, W01, b01,
           root0, rb0, bn_g1, bn_b1, W10, b10, W11, b11, root1, rb1,
           bn_g2, bn_b2, W20, b20, W21, b21, root2, rb2, Wp, bp):
    e = e.reshape(-1, _EDGE_IN)
    n_edges = e.shape[0]
    n_out = Wp.shape[1]
    et = e.T
    wb = jnp.concatenate(
        [Wp.T, bp.reshape(n_out, 1), jnp.zeros((n_out, 12), jnp.float32)],
        axis=1,
    )

    sck = pl.kernel(
        _sc_body,
        out_type=jax.ShapeDtypeStruct((n_out, n_edges), jnp.float32),
        mesh=plsc.VectorSubcoreMesh(core_axis_name="c", subcore_axis_name="s"),
        scratch_types=[
            pltpu.VMEM((_N_OUT, 32), jnp.float32),
            pltpu.VMEM((_EDGE_IN, _TILE_LANES), jnp.float32),
            pltpu.VMEM((_N_OUT, _TILE_LANES), jnp.float32),
            pltpu.SemaphoreType.DMA((3,)),
        ],
        compiler_params=pltpu.CompilerParams(use_tc_tiling_on_sc=True),
    )
    out_t = sck(wb, et)
    return out_t.T

# --- scband reference (transcript-rebuilt; emitter-appended) ---
"""Pipeline reference for scband-nnconv-model-28217935134974 (READ-ONLY COPY).

The authoritative reference and input builder live on the scoring server;
editing this copy changes nothing except your own understanding.
"""

import jax, jax.numpy as jnp
import numpy as np

N = 10000
E = 160000
NODE_IN = 16
EDGE_IN = 19
HID = 32
LEAK = 0.1


def _leaky(z):
    return jnp.where(z >= 0, z, LEAK * z)


def _bn(x, g, b):
    # BatchNorm1d in training mode: normalize with batch statistics (biased var)
    m = x.mean(axis=0)
    v = x.var(axis=0)
    return (x - m) / jnp.sqrt(v + 1e-5) * g + b


def _mlp(e, Wa, ba, Wb, bb):
    # Seq(Lin, LeakyReLU(0.1), Lin, LeakyReLU(0.1))
    return _leaky(_leaky(e @ Wa + ba) @ Wb + bb)


def _nnconv(x, ei, ew, root, rb, cin, cout):
    # PyG NNConv: msg_e = x[src_e] @ W(e_attr).reshape(cin, cout); aggr='add' at dst; plus root weight and bias
    W = ew.reshape(-1, cin, cout)
    msg = jnp.einsum('ei,eio->eo', x[ei[0]], W)
    agg = jax.ops.segment_sum(msg, ei[1], num_segments=x.shape[0])
    return agg + x @ root + rb


def setup_inputs(seed: int = 0):
    key = jax.random.key(seed)
    ks = jax.random.split(key, 16)

    def nrm(i, shape, scale=0.2):
        return jax.random.normal(ks[i], shape, dtype=jnp.float32) * scale

    inp = {}
    inp['x'] = jax.random.normal(ks[0], (N, NODE_IN), dtype=jnp.float32)
    inp['edge_index'] = jax.random.randint(ks[1], (2, E), 0, N, dtype=jnp.int32)
    inp['e'] = jax.random.normal(ks[2], (E, EDGE_IN), dtype=jnp.float32)
    inp['xbatch'] = jnp.zeros((N,), dtype=jnp.int32)
    # mp layer 0: bn(16), nn: Lin(19,16)+Lin(16,16*32), NNConv(16,32)
    inp['bn_g0'] = jnp.ones((NODE_IN,), jnp.float32)
    inp['bn_b0'] = jnp.zeros((NODE_IN,), jnp.float32)
    inp['W00'] = nrm(3, (EDGE_IN, NODE_IN))
    inp['b00'] = jnp.zeros((NODE_IN,), jnp.float32)
    inp['W01'] = nrm(4, (NODE_IN, NODE_IN * HID))
    inp['b01'] = jnp.zeros((NODE_IN * HID,), jnp.float32)
    inp['root0'] = nrm(5, (NODE_IN, HID))
    inp['rb0'] = jnp.zeros((HID,), jnp.float32)
    # mp layer 1: bn(32), nn: Lin(19,32)+Lin(32,32*32), NNConv(32,32)
    inp['bn_g1'] = jnp.ones((HID,), jnp.float32)
    inp['bn_b1'] = jnp.zeros((HID,), jnp.float32)
    inp['W10'] = nrm(6, (EDGE_IN, HID))
    inp['b10'] = jnp.zeros((HID,), jnp.float32)
    inp['W11'] = nrm(7, (HID, HID * HID))
    inp['b11'] = jnp.zeros((HID * HID,), jnp.float32)
    inp['root1'] = nrm(8, (HID, HID))
    inp['rb1'] = jnp.zeros((HID,), jnp.float32)
    # mp layer 2
    inp['bn_g2'] = jnp.ones((HID,), jnp.float32)
    inp['bn_b2'] = jnp.zeros((HID,), jnp.float32)
    inp['W20'] = nrm(9, (EDGE_IN, HID))
    inp['b20'] = jnp.zeros((HID,), jnp.float32)
    inp['W21'] = nrm(10, (HID, HID * HID))
    inp['b21'] = jnp.zeros((HID * HID,), jnp.float32)
    inp['root2'] = nrm(11, (HID, HID))
    inp['rb2'] = jnp.zeros((HID,), jnp.float32)
    # edge predictor Lin(19, 2)
    inp['Wp'] = nrm(12, (EDGE_IN, 2))
    inp['bp'] = jnp.zeros((2,), jnp.float32)
    return inp


def reference(x, edge_index, e, xbatch, bn_g0, bn_b0, W00, b00, W01, b01, root0, rb0, bn_g1, bn_b1, W10, b10, W11, b11, root1, rb1, bn_g2, bn_b2, W20, b20, W21, b21, root2, rb2, Wp, bp):
    x = x.reshape(-1, NODE_IN)
    e = e.reshape(-1, EDGE_IN)
    x = _bn(x, bn_g0, bn_b0)
    x = _nnconv(x, edge_index, _mlp(e, W00, b00, W01, b01), root0, rb0, NODE_IN, HID)
    x = _bn(x, bn_g1, bn_b1)
    x = _nnconv(x, edge_index, _mlp(e, W10, b10, W11, b11), root1, rb1, HID, HID)
    x = _bn(x, bn_g2, bn_b2)
    x = _nnconv(x, edge_index, _mlp(e, W20, b20, W21, b21), root2, rb2, HID, HID)
    # update_edge=False, so e is never updated; edge_pred = Linear(e)
    edge_pred = e @ Wp + bp
    return edge_pred

if __name__ == "__main__":
    import jax
    _d = setup_inputs()
    print(jax.jit(kernel)(*tuple(_d.values())))

</pallas_src>

<mosaic_0001>
#map = affine_map<(d0, d1) -> (0, 0)>
module attributes {stable_mosaic.version = 14 : i64} {
  func.func @_sc_body(%arg0: i32, %arg1: i32, %arg2: memref<2x32xf32, #tpu.memory_space<hbm>>, %arg3: memref<19x160000xf32, #tpu.memory_space<hbm>>, %arg4: memref<2x160000xf32, #tpu.memory_space<hbm>>, %arg5: memref<2x32xf32, #tpu.memory_space<vmem>>, %arg6: memref<19x2560xf32, #tpu.memory_space<vmem>>, %arg7: memref<2x2560xf32, #tpu.memory_space<vmem>>, %arg8: memref<3x!tpu.dma_semaphore, #tpu.memory_space<semaphore_mem>>) attributes {dimension_semantics = [#tpu.dimension_semantics<core_parallel>, #tpu.dimension_semantics<subcore_parallel>], iteration_bounds = array<i64: 2, 16>, scalar_prefetch = 0 : i64, scratch_operands = 4 : i64, tpu.core_type = #tpu.core_type<sc_vector_subcore>, window_params = [{transform_indices = #map}, {transform_indices = #map}, {transform_indices = #map}]} {
    %mul3A = arith.constant 16 : i32
    %mul3A_0 = arith.muli %arg0, %mul3A : i32
    %add3A = arith.addi %mul3A_0, %arg1 : i32
    %dma_start3A = arith.constant 0 : i32
    %dma_start3A_1 = tpu.memref_slice %arg8[%dma_start3A] : memref<3x!tpu.dma_semaphore, #tpu.memory_space<semaphore_mem>> -> memref<1x!tpu.dma_semaphore, #tpu.memory_space<semaphore_mem>>
    %dma_start3A_2 = tpu.memref_squeeze %dma_start3A_1 : memref<1x!tpu.dma_semaphore, #tpu.memory_space<semaphore_mem>> -> memref<!tpu.dma_semaphore, #tpu.memory_space<semaphore_mem>>
    tpu.enqueue_dma source(%arg2 : memref<2x32xf32, #tpu.memory_space<hbm>>) target(%arg5 : memref<2x32xf32, #tpu.memory_space<vmem>>) target_semaphore(%dma_start3A_2 : memref<!tpu.dma_semaphore, #tpu.memory_space<semaphore_mem>>)
    %dma_wait3A = arith.constant 0 : i32
    %dma_wait3A_3 = tpu.memref_slice %arg8[%dma_wait3A] : memref<3x!tpu.dma_semaphore, #tpu.memory_space<semaphore_mem>> -> memref<1x!tpu.dma_semaphore, #tpu.memory_space<semaphore_mem>>
    %dma_wait3A_4 = tpu.memref_squeeze %dma_wait3A_3 : memref<1x!tpu.dma_semaphore, #tpu.memory_space<semaphore_mem>> -> memref<!tpu.dma_semaphore, #tpu.memory_space<semaphore_mem>>
    tpu.wait_dma2 semaphore(%dma_wait3A_4 : memref<!tpu.dma_semaphore, #tpu.memory_space<semaphore_mem>>) src(%arg2 : memref<2x32xf32, #tpu.memory_space<hbm>>) dst(%arg5 : memref<2x32xf32, #tpu.memory_space<vmem>>)
    %get3A = arith.constant 0 : i32
    %get3A_5 = arith.index_cast %get3A : i32 to index
    %get3A_6 = arith.constant 0 : index
    %get3A_7 = tpu.vector_load %arg5[%get3A_5, %get3A_6] {strides = array<i32>} : memref<2x32xf32, #tpu.memory_space<vmem>>, vector<1x16xf32>,
    %get3A_8 = vector.shape_cast %get3A_7 : vector<1x16xf32> to vector<16xf32>
    %get3A_9 = arith.constant 0 : i32
    %get3A_10 = arith.index_cast %get3A_9 : i32 to index
    %get3A_11 = arith.constant 16 : index
    %get3A_12 = tpu.vector_load %arg5[%get3A_10, %get3A_11] {strides = array<i32>} : memref<2x32xf32, #tpu.memory_space<vmem>>, vector<1x16xf32>,
    %get3A_13 = vector.shape_cast %get3A_12 : vector<1x16xf32> to vector<16xf32>
    %get3A_14 = arith.constant 1 : i32
    %get3A_15 = arith.index_cast %get3A_14 : i32 to index
    %get3A_16 = arith.constant 0 : index
    %get3A_17 = tpu.vector_load %arg5[%get3A_15, %get3A_16] {strides = array<i32>} : memref<2x32xf32, #tpu.memory_space<vmem>>, vector<1x16xf32>,
    %get3A_18 = vector.shape_cast %get3A_17 : vector<1x16xf32> to vector<16xf32>
    %get3A_19 = arith.constant 1 : i32
    %get3A_20 = arith.index_cast %get3A_19 : i32 to index
    %get3A_21 = arith.constant 16 : index
    %get3A_22 = tpu.vector_load %arg5[%get3A_20, %get3A_21] {strides = array<i32>} : memref<2x32xf32, #tpu.memory_space<vmem>>, vector<1x16xf32>,
    %get3A_23 = vector.shape_cast %get3A_22 : vector<1x16xf32> to vector<16xf32>
    %slice3A = vector.extract_strided_slice %get3A_8 {offsets = [0], sizes = [1], strides = [1]} : vector<16xf32> to vector<1xf32>
    %squeeze3A = vector.extract %slice3A[0] : f32 from vector<1xf32>
    %slice3A_24 = vector.extract_strided_slice %get3A_8 {offsets = [1], sizes = [1], strides = [1]} : vector<16xf32> to vector<1xf32>
    %squeeze3A_25 = vector.extract %slice3A_24[0] : f32 from vector<1xf32>
    %slice3A_26 = vector.extract_strided_slice %get3A_8 {offsets = [2], sizes = [1], strides = [1]} : vector<16xf32> to vector<1xf32>
    %squeeze3A_27 = vector.extract %slice3A_26[0] : f32 from vector<1xf32>
    %slice3A_28 = vector.extract_strided_slice %get3A_8 {offsets = [3], sizes = [1], strides = [1]} : vector<16xf32> to vector<1xf32>
    %squeeze3A_29 = vector.extract %slice3A_28[0] : f32 from vector<1xf32>
    %slice3A_30 = vector.extract_strided_slice %get3A_8 {offsets = [4], sizes = [1], strides = [1]} : vector<16xf32> to vector<1xf32>
    %squeeze3A_31 = vector.extract %slice3A_30[0] : f32 from vector<1xf32>
    %slice3A_32 = vector.extract_strided_slice %get3A_8 {offsets = [5], sizes = [1], strides = [1]} : vector<16xf32> to vector<1xf32>
    %squeeze3A_33 = vector.extract %slice3A_32[0] : f32 from vector<1xf32>
    %slice3A_34 = vector.extract_strided_slice %get3A_8 {offsets = [6], sizes = [1], strides = [1]} : vector<16xf32> to vector<1xf32>
    %squeeze3A_35 = vector.extract %slice3A_34[0] : f32 from vector<1xf32>
    %slice3A_36 = vector.extract_strided_slice %get3A_8 {offsets = [7], sizes = [1], strides = [1]} : vector<16xf32> to vector<1xf32>
    %squeeze3A_37 = vector.extract %slice3A_36[0] : f32 from vector<1xf32>
    %slice3A_38 = vector.extract_strided_slice %get3A_8 {offsets = [8], sizes = [1], strides = [1]} : vector<16xf32> to vector<1xf32>
    %squeeze3A_39 = vector.extract %slice3A_38[0] : f32 from vector<1xf32>
    %slice3A_40 = vector.extract_strided_slice %get3A_8 {offsets = [9], sizes = [1], strides = [1]} : vector<16xf32> to vector<1xf32>
    %squeeze3A_41 = vector.extract %slice3A_40[0] : f32 from vector<1xf32>
    %slice3A_42 = vector.extract_strided_slice %get3A_8 {offsets = [10], sizes = [1], strides = [1]} : vector<16xf32> to vector<1xf32>
    %squeeze3A_43 = vector.extract %slice3A_42[0] : f32 from vector<1xf32>
    %slice3A_44 = vector.extract_strided_slice %get3A_8 {offsets = [11], sizes = [1], strides = [1]} : vector<16xf32> to vector<1xf32>
    %squeeze3A_45 = vector.extract %slice3A_44[0] : f32 from vector<1xf32>
    %slice3A_46 = vector.extract_strided_slice %get3A_8 {offsets = [12], sizes = [1], strides = [1]} : vector<16xf32> to vector<1xf32>
    %squeeze3A_47 = vector.extract %slice3A_46[0] : f32 from vector<1xf32>
    %slice3A_48 = vector.extract_strided_slice %get3A_8 {offsets = [13], sizes = [1], strides = [1]} : vector<16xf32> to vector<1xf32>
    %squeeze3A_49 = vector.extract %slice3A_48[0] : f32 from vector<1xf32>
    %slice3A_50 = vector.extract_strided_slice %get3A_8 {offsets = [14], sizes = [1], strides = [1]} : vector<16xf32> to vector<1xf32>
    %squeeze3A_51 = vector.extract %slice3A_50[0] : f32 from vector<1xf32>
    %slice3A_52 = vector.extract_strided_slice %get3A_8 {offsets = [15], sizes = [1], strides = [1]} : vector<16xf32> to vector<1xf32>
    %squeeze3A_53 = vector.extract %slice3A_52[0] : f32 from vector<1xf32>
    %slice3A_54 = vector.extract_strided_slice %get3A_13 {offsets = [0], sizes = [1], strides = [1]} : vector<16xf32> to vector<1xf32>
    %squeeze3A_55 = vector.extract %slice3A_54[0] : f32 from vector<1xf32>
    %slice3A_56 = vector.extract_strided_slice %get3A_13 {offsets = [1], sizes = [1], strides = [1]} : vector<16xf32> to vector<1xf32>
    %squeeze3A_57 = vector.extract %slice3A_56[0] : f32 from vector<1xf32>
    %slice3A_58 = vector.extract_strided_slice %get3A_13 {offsets = [2], sizes = [1], strides = [1]} : vector<16xf32> to vector<1xf32>
    %squeeze3A_59 = vector.extract %slice3A_58[0] : f32 from vector<1xf32>
    %slice3A_60 = vector.extract_strided_slice %get3A_18 {offsets = [0], sizes = [1], strides = [1]} : vector<16xf32> to vector<1xf32>
    %squeeze3A_61 = vector.extract %slice3A_60[0] : f32 from vector<1xf32>
    %slice3A_62 = vector.extract_strided_slice %get3A_18 {offsets = [1], sizes = [1], strides = [1]} : vector<16xf32> to vector<1xf32>
    %squeeze3A_63 = vector.extract %slice3A_62[0] : f32 from vector<1xf32>
    %slice3A_64 = vector.extract_strided_slice %get3A_18 {offsets = [2], sizes = [1], strides = [1]} : vector<16xf32> to vector<1xf32>
    %squeeze3A_65 = vector.extract %slice3A_64[0] : f32 from vector<1xf32>
    %slice3A_66 = vector.extract_strided_slice %get3A_18 {offsets = [3], sizes = [1], strides = [1]} : vector<16xf32> to vector<1xf32>
    %squeeze3A_67 = vector.extract %slice3A_66[0] : f32 from vector<1xf32>
    %slice3A_68 = vector.extract_strided_slice %get3A_18 {offsets = [4], sizes = [1], strides = [1]} : vector<16xf32> to vector<1xf32>
    %squeeze3A_69 = vector.extract %slice3A_68[0] : f32 from vector<1xf32>
    %slice3A_70 = vector.extract_strided_slice %get3A_18 {offsets = [5], sizes = [1], strides = [1]} : vector<16xf32> to vector<1xf32>
    %squeeze3A_71 = vector.extract %slice3A_70[0] : f32 from vector<1xf32>
    %slice3A_72 = vector.extract_strided_slice %get3A_18 {offsets = [6], sizes = [1], strides = [1]} : vector<16xf32> to vector<1xf32>
    %squeeze3A_73 = vector.extract %slice3A_72[0] : f32 from vector<1xf32>
    %slice3A_74 = vector.extract_strided_slice %get3A_18 {offsets = [7], sizes = [1], strides = [1]} : vector<16xf32> to vector<1xf32>
    %squeeze3A_75 = vector.extract %slice3A_74[0] : f32 from vector<1xf32>
    %slice3A_76 = vector.extract_strided_slice %get3A_18 {offsets = [8], sizes = [1], strides = [1]} : vector<16xf32> to vector<1xf32>
    %squeeze3A_77 = vector.extract %slice3A_76[0] : f32 from vector<1xf32>
    %slice3A_78 = vector.extract_strided_slice %get3A_18 {offsets = [9], sizes = [1], strides = [1]} : vector<16xf32> to vector<1xf32>
    %squeeze3A_79 = vector.extract %slice3A_78[0] : f32 from vector<1xf32>
    %slice3A_80 = vector.extract_strided_slice %get3A_18 {offsets = [10], sizes = [1], strides = [1]} : vector<16xf32> to vector<1xf32>
    %squeeze3A_81 = vector.extract %slice3A_80[0] : f32 from vector<1xf32>
    %slice3A_82 = vector.extract_strided_slice %get3A_18 {offsets = [11], sizes = [1], strides = [1]} : vector<16xf32> to vector<1xf32>
    %squeeze3A_83 = vector.extract %slice3A_82[0] : f32 from vector<1xf32>
    %slice3A_84 = vector.extract_strided_slice %get3A_18 {offsets = [12], sizes = [1], strides = [1]} : vector<16xf32> to vector<1xf32>
    %squeeze3A_85 = vector.extract %slice3A_84[0] : f32 from vector<1xf32>
    %slice3A_86 = vector.extract_strided_slice %get3A_18 {offsets = [13], sizes = [1], strides = [1]} : vector<16xf32> to vector<1xf32>
    %squeeze3A_87 = vector.extract %slice3A_86[0] : f32 from vector<1xf32>
    %slice3A_88 = vector.extract_strided_slice %get3A_18 {offsets = [14], sizes = [1], strides = [1]} : vector<16xf32> to vector<1xf32>
    %squeeze3A_89 = vector.extract %slice3A_88[0] : f32 from vector<1xf32>
    %slice3A_90 = vector.extract_strided_slice %get3A_18 {offsets = [15], sizes = [1], strides = [1]} : vector<16xf32> to vector<1xf32>
    %squeeze3A_91 = vector.extract %slice3A_90[0] : f32 from vector<1xf32>
    %slice3A_92 = vector.extract_strided_slice %get3A_23 {offsets = [0], sizes = [1], strides = [1]} : vector<16xf32> to vector<1xf32>
    %squeeze3A_93 = vector.extract %slice3A_92[0] : f32 from vector<1xf32>
    %slice3A_94 = vector.extract_strided_slice %get3A_23 {offsets = [1], sizes = [1], strides = [1]} : vector<16xf32> to vector<1xf32>
    %squeeze3A_95 = vector.extract %slice3A_94[0] : f32 from vector<1xf32>
    %slice3A_96 = vector.extract_strided_slice %get3A_23 {offsets = [2], sizes = [1], strides = [1]} : vector<16xf32> to vector<1xf32>
    %squeeze3A_97 = vector.extract %slice3A_96[0] : f32 from vector<1xf32>
    %slice3A_98 = vector.extract_strided_slice %get3A_13 {offsets = [3], sizes = [1], strides = [1]} : vector<16xf32> to vector<1xf32>
    %squeeze3A_99 = vector.extract %slice3A_98[0] : f32 from vector<1xf32>
    %slice3A_100 = vector.extract_strided_slice %get3A_23 {offsets = [3], sizes = [1], strides = [1]} : vector<16xf32> to vector<1xf32>
    %squeeze3A_101 = vector.extract %slice3A_100[0] : f32 from vector<1xf32>
    %mul3A_102 = arith.constant 2 : i32
    %mul3A_103 = arith.muli %add3A, %mul3A_102 : i32
    %add3A_104 = arith.constant 0 : i32
    %add3A_105 = arith.addi %mul3A_103, %add3A_104 : i32
    %mul3A_106 = arith.constant 2560 : i32
    %mul3A_107 = arith.muli %add3A_105, %mul3A_106 : i32
    %min3A = arith.constant 157440 : i32
    %min3A_108 = arith.minsi %mul3A_107, %min3A : i32
    %dma_start3A_109 = arith.constant 1 : i32
    %dma_start3A_110 = arith.constant 0 : i32
    %dma_start3A_111 = tpu.memref_slice %arg3[%dma_start3A_110, %min3A_108] : memref<19x160000xf32, #tpu.memory_space<hbm>> -> memref<19x2560xf32, #tpu.memory_space<hbm>>
    %dma_start3A_112 = tpu.memref_slice %arg8[%dma_start3A_109] : memref<3x!tpu.dma_semaphore, #tpu.memory_space<semaphore_mem>> -> memref<1x!tpu.dma_semaphore, #tpu.memory_space<semaphore_mem>>
    %dma_start3A_113 = tpu.memref_squeeze %dma_start3A_112 : memref<1x!tpu.dma_semaphore, #tpu.memory_space<semaphore_mem>> -> memref<!tpu.dma_semaphore, #tpu.memory_space<semaphore_mem>>
    %dma_start3A_114 = arith.constant 0 : i32
    %dma_start3A_115 = tpu.memref_slice %arg3[%dma_start3A_114, %min3A_108] : memref<19x160000xf32, #tpu.memory_space<hbm>> -> memref<19x2560xf32, #tpu.memory_space<hbm>>
    tpu.enqueue_dma source(%dma_start3A_115 : memref<19x2560xf32, #tpu.memory_space<hbm>>) target(%arg6 : memref<19x2560xf32, #tpu.memory_space<vmem>>) target_semaphore(%dma_start3A_113 : memref<!tpu.dma_semaphore, #tpu.memory_space<semaphore_mem>>)
    %dma_wait3A_116 = arith.constant 1 : i32
    %dma_wait3A_117 = arith.constant 0 : i32
    %dma_wait3A_118 = tpu.memref_slice %arg3[%dma_wait3A_117, %min3A_108] : memref<19x160000xf32, #tpu.memory_space<hbm>> -> memref<19x2560xf32, #tpu.memory_space<hbm>>
    %dma_wait3A_119 = tpu.memref_slice %arg8[%dma_wait3A_116] : memref<3x!tpu.dma_semaphore, #tpu.memory_space<semaphore_mem>> -> memref<1x!tpu.dma_semaphore, #tpu.memory_space<semaphore_mem>>
    %dma_wait3A_120 = tpu.memref_squeeze %dma_wait3A_119 : memref<1x!tpu.dma_semaphore, #tpu.memory_space<semaphore_mem>> -> memref<!tpu.dma_semaphore, #tpu.memory_space<semaphore_mem>>
    %dma_wait3A_121 = arith.constant 0 : i32
    %dma_wait3A_122 = tpu.memref_slice %arg3[%dma_wait3A_121, %min3A_108] : memref<19x160000xf32, #tpu.memory_space<hbm>> -> memref<19x2560xf32, #tpu.memory_space<hbm>>
    tpu.wait_dma2 semaphore(%dma_wait3A_120 : memref<!tpu.dma_semaphore, #tpu.memory_space<semaphore_mem>>) src(%dma_wait3A_122 : memref<19x2560xf32, #tpu.memory_space<hbm>>) dst(%arg6 : memref<19x2560xf32, #tpu.memory_space<vmem>>)
    %scan3A = arith.constant 0 : i32
    %scan3A_123 = arith.constant 0 : i32
    %scan3A_124 = arith.constant 160 : i32
    %scan3A_125 = arith.addi %scan3A_123, %scan3A_124 : i32
    %scan3A_126 = arith.constant 1 : i32
    scf.for %scan3A_184 = %scan3A_123 to %scan3A_125 step %scan3A_126  : i32 {
      %mul3A_185 = arith.constant 16 : i32
      %mul3A_186 = arith.muli %scan3A_184, %mul3A_185 : i32
      %broadcast_in_dim3A = vector.broadcast %squeeze3A_99 : f32 to vector<16xf32>
      %broadcast_in_dim3A_187 = vector.broadcast %squeeze3A_101 : f32 to vector<16xf32>
      %get3A_188 = arith.constant 0 : i32
      %get3A_189 = arith.index_cast %get3A_188 : i32 to index
      %get3A_190 = arith.index_cast %mul3A_186 : i32 to index
      %get3A_191 = tpu.vector_load %arg6[%get3A_189, %get3A_190] {strides = array<i32>} : memref<19x2560xf32, #tpu.memory_space<vmem>>, vector<1x16xf32>,
      %get3A_192 = vector.shape_cast %get3A_191 : vector<1x16xf32> to vector<16xf32>
      %mul3A_193 = vector.broadcast %squeeze3A : f32 to vector<16xf32>
      %mul3A_194 = arith.mulf %get3A_192, %mul3A_193 : vector<16xf32>
      %add3A_195 = arith.addf %broadcast_in_dim3A, %mul3A_194 : vector<16xf32>
      %mul3A_196 = vector.broadcast %squeeze3A_61 : f32 to vector<16xf32>
      %mul3A_197 = arith.mulf %get3A_192, %mul3A_196 : vector<16xf32>
      %add3A_198 = arith.addf %broadcast_in_dim3A_187, %mul3A_197 : vector<16xf32>
      %get3A_199 = arith.constant 1 : i32
      %get3A_200 = arith.index_cast %get3A_199 : i32 to index
      %get3A_201 = arith.index_cast %mul3A_186 : i32 to index
      %get3A_202 = tpu.vector_load %arg6[%get3A_200, %get3A_201] {strides = array<i32>} : memref<19x2560xf32, #tpu.memory_space<vmem>>, vector<1x16xf32>,
      %get3A_203 = vector.shape_cast %get3A_202 : vector<1x16xf32> to vector<16xf32>
      %mul3A_204 = vector.broadcast %squeeze3A_25 : f32 to vector<16xf32>
      %mul3A_205 = arith.mulf %get3A_203, %mul3A_204 : vector<16xf32>
      %add3A_206 = arith.addf %add3A_195, %mul3A_205 : vector<16xf32>
      %mul3A_207 = vector.broadcast %squeeze3A_63 : f32 to vector<16xf32>
      %mul3A_208 = arith.mulf %get3A_203, %mul3A_207 : vector<16xf32>
      %add3A_209 = arith.addf %add3A_198, %mul3A_208 : vector<16xf32>
      %get3A_210 = arith.constant 2 : i32
      %get3A_211 = arith.index_cast %get3A_210 : i32 to index
      %get3A_212 = arith.index_cast %mul3A_186 : i32 to index
      %get3A_213 = tpu.vector_load %arg6[%get3A_211, %get3A_212] {strides = array<i32>} : memref<19x2560xf32, #tpu.memory_space<vmem>>, vector<1x16xf32>,
      %get3A_214 = vector.shape_cast %get3A_213 : vector<1x16xf32> to vector<16xf32>
      %mul3A_215 = vector.broadcast %squeeze3A_27 : f32 to vector<16xf32>
      %mul3A_216 = arith.mulf %get3A_214, %mul3A_215 : vector<16xf32>
      %add3A_217 = arith.addf %add3A_206, %mul3A_216 : vector<16xf32>
      %mul3A_218 = vector.broadcast %squeeze3A_65 : f32 to vector<16xf32>
      %mul3A_219 = arith.mulf %get3A_214, %mul3A_218 : vector<16xf32>
      %add3A_220 = arith.addf %add3A_209, %mul3A_219 : vector<16xf32>
      %get3A_221 = arith.constant 3 : i32
      %get3A_222 = arith.index_cast %get3A_221 : i32 to index
      %get3A_223 = arith.index_cast %mul3A_186 : i32 to index
      %get3A_224 = tpu.vector_load %arg6[%get3A_222, %get3A_223] {strides = array<i32>} : memref<19x2560xf32, #tpu.memory_space<vmem>>, vector<1x16xf32>,
      %get3A_225 = vector.shape_cast %get3A_224 : vector<1x16xf32> to vector<16xf32>
      %mul3A_226 = vector.broadcast %squeeze3A_29 : f32 to vector<16xf32>
      %mul3A_227 = arith.mulf %get3A_225, %mul3A_226 : vector<16xf32>
      %add3A_228 = arith.addf %add3A_217, %mul3A_227 : vector<16xf32>
      %mul3A_229 = vector.broadcast %squeeze3A_67 : f32 to vector<16xf32>
      %mul3A_230 = arith.mulf %get3A_225, %mul3A_229 : vector<16xf32>
      %add3A_231 = arith.addf %add3A_220, %mul3A_230 : vector<16xf32>
      %get3A_232 = arith.constant 4 : i32
      %get3A_233 = arith.index_cast %get3A_232 : i32 to index
      %get3A_234 = arith.index_cast %mul3A_186 : i32 to index
      %get3A_235 = tpu.vector_load %arg6[%get3A_233, %get3A_234] {strides = array<i32>} : memref<19x2560xf32, #tpu.memory_space<vmem>>, vector<1x16xf32>,
      %get3A_236 = vector.shape_cast %get3A_235 : vector<1x16xf32> to vector<16xf32>
      %mul3A_237 = vector.broadcast %squeeze3A_31 : f32 to vector<16xf32>
      %mul3A_238 = arith.mulf %get3A_236, %mul3A_237 : vector<16xf32>
      %add3A_239 = arith.addf %add3A_228, %mul3A_238 : vector<16xf32>
      %mul3A_240 = vector.broadcast %squeeze3A_69 : f32 to vector<16xf32>
      %mul3A_241 = arith.mulf %get3A_236, %mul3A_240 : vector<16xf32>
      %add3A_242 = arith.addf %add3A_231, %mul3A_241 : vector<16xf32>
      %get3A_243 = arith.constant 5 : i32
      %get3A_244 = arith.index_cast %get3A_243 : i32 to index
      %get3A_245 = arith.index_cast %mul3A_186 : i32 to index
      %get3A_246 = tpu.vector_load %arg6[%get3A_244, %get3A_245] {strides = array<i32>} : memref<19x2560xf32, #tpu.memory_space<vmem>>, vector<1x16xf32>,
      %get3A_247 = vector.shape_cast %get3A_246 : vector<1x16xf32> to vector<16xf32>
      %mul3A_248 = vector.broadcast %squeeze3A_33 : f32 to vector<16xf32>
      %mul3A_249 = arith.mulf %get3A_247, %mul3A_248 : vector<16xf32>
      %add3A_250 = arith.addf %add3A_239, %mul3A_249 : vector<16xf32>
      %mul3A_251 = vector.broadcast %squeeze3A_71 : f32 to vector<16xf32>
      %mul3A_252 = arith.mulf %get3A_247, %mul3A_251 : vector<16xf32>
      %add3A_253 = arith.addf %add3A_242, %mul3A_252 : vector<16xf32>
      %get3A_254 = arith.constant 6 : i32
      %get3A_255 = arith.index_cast %get3A_254 : i32 to index
      %get3A_256 = arith.index_cast %mul3A_186 : i32 to index
      %get3A_257 = tpu.vector_load %arg6[%get3A_255, %get3A_256] {strides = array<i32>} : memref<19x2560xf32, #tpu.memory_space<vmem>>, vector<1x16xf32>,
      %get3A_258 = vector.shape_cast %get3A_257 : vector<1x16xf32> to vector<16xf32>
      %mul3A_259 = vector.broadcast %squeeze3A_35 : f32 to vector<16xf32>
      %mul3A_260 = arith.mulf %get3A_258, %mul3A_259 : vector<16xf32>
      %add3A_261 = arith.addf %add3A_250, %mul3A_260 : vector<16xf32>
      %mul3A_262 = vector.broadcast %squeeze3A_73 : f32 to vector<16xf32>
      %mul3A_263 = arith.mulf %get3A_258, %mul3A_262 : vector<16xf32>
      %add3A_264 = arith.addf %add3A_253, %mul3A_263 : vector<16xf32>
      %get3A_265 = arith.constant 7 : i32
      %get3A_266 = arith.index_cast %get3A_265 : i32 to index
      %get3A_267 = arith.index_cast %mul3A_186 : i32 to index
      %get3A_268 = tpu.vector_load %arg6[%get3A_266, %get3A_267] {strides = array<i32>} : memref<19x2560xf32, #tpu.memory_space<vmem>>, vector<1x16xf32>,
      %get3A_269 = vector.shape_cast %get3A_268 : vector<1x16xf32> to vector<16xf32>
      %mul3A_270 = vector.broadcast %squeeze3A_37 : f32 to vector<16xf32>
      %mul3A_271 = arith.mulf %get3A_269, %mul3A_270 : vector<16xf32>
      %add3A_272 = arith.addf %add3A_261, %mul3A_271 : vector<16xf32>
      %mul3A_273 = vector.broadcast %squeeze3A_75 : f32 to vector<16xf32>
      %mul3A_274 = arith.mulf %get3A_269, %mul3A_273 : vector<16xf32>
      %add3A_275 = arith.addf %add3A_264, %mul3A_274 : vector<16xf32>
      %get3A_276 = arith.constant 8 : i32
      %get3A_277 = arith.index_cast %get3A_276 : i32 to index
      %get3A_278 = arith.index_cast %mul3A_186 : i32 to index
      %get3A_279 = tpu.vector_load %arg6[%get3A_277, %get3A_278] {strides = array<i32>} : memref<19x2560xf32, #tpu.memory_space<vmem>>, vector<1x16xf32>,
      %get3A_280 = vector.shape_cast %get3A_279 : vector<1x16xf32> to vector<16xf32>
      %mul3A_281 = vector.broadcast %squeeze3A_39 : f32 to vector<16xf32>
      %mul3A_282 = arith.mulf %get3A_280, %mul3A_281 : vector<16xf32>
      %add3A_283 = arith.addf %add3A_272, %mul3A_282 : vector<16xf32>
      %mul3A_284 = vector.broadcast %squeeze3A_77 : f32 to vector<16xf32>
      %mul3A_285 = arith.mulf %get3A_280, %mul3A_284 : vector<16xf32>
      %add3A_286 = arith.addf %add3A_275, %mul3A_285 : vector<16xf32>
      %get3A_287 = arith.constant 9 : i32
      %get3A_288 = arith.index_cast %get3A_287 : i32 to index
      %get3A_289 = arith.index_cast %mul3A_186 : i32 to index
      %get3A_290 = tpu.vector_load %arg6[%get3A_288, %get3A_289] {strides = array<i32>} : memref<19x2560xf32, #tpu.memory_space<vmem>>, vector<1x16xf32>,
      %get3A_291 = vector.shape_cast %get3A_290 : vector<1x16xf32> to vector<16xf32>
      %mul3A_292 = vector.broadcast %squeeze3A_41 : f32 to vector<16xf32>
      %mul3A_293 = arith.mulf %get3A_291, %mul3A_292 : vector<16xf32>
      %add3A_294 = arith.addf %add3A_283, %mul3A_293 : vector<16xf32>
      %mul3A_295 = vector.broadcast %squeeze3A_79 : f32 to vector<16xf32>
      %mul3A_296 = arith.mulf %get3A_291, %mul3A_295 : vector<16xf32>
      %add3A_297 = arith.addf %add3A_286, %mul3A_296 : vector<16xf32>
      %get3A_298 = arith.constant 10 : i32
      %get3A_299 = arith.index_cast %get3A_298 : i32 to index
      %get3A_300 = arith.index_cast %mul3A_186 : i32 to index
      %get3A_301 = tpu.vector_load %arg6[%get3A_299, %get3A_300] {strides = array<i32>} : memref<19x2560xf32, #tpu.memory_space<vmem>>, vector<1x16xf32>,
      %get3A_302 = vector.shape_cast %get3A_301 : vector<1x16xf32> to vector<16xf32>
      %mul3A_303 = vector.broadcast %squeeze3A_43 : f32 to vector<16xf32>
      %mul3A_304 = arith.mulf %get3A_302, %mul3A_303 : vector<16xf32>
      %add3A_305 = arith.addf %add3A_294, %mul3A_304 : vector<16xf32>
      %mul3A_306 = vector.broadcast %squeeze3A_81 : f32 to vector<16xf32>
      %mul3A_307 = arith.mulf %get3A_302, %mul3A_306 : vector<16xf32>
      %add3A_308 = arith.addf %add3A_297, %mul3A_307 : vector<16xf32>
      %get3A_309 = arith.constant 11 : i32
      %get3A_310 = arith.index_cast %get3A_309 : i32 to index
      %get3A_311 = arith.index_cast %mul3A_186 : i32 to index
      %get3A_312 = tpu.vector_load %arg6[%get3A_310, %get3A_311] {strides = array<i32>} : memref<19x2560xf32, #tpu.memory_space<vmem>>, vector<1x16xf32>,
      %get3A_313 = vector.shape_cast %get3A_312 : vector<1x16xf32> to vector<16xf32>
      %mul3A_314 = vector.broadcast %squeeze3A_45 : f32 to vector<16xf32>
      %mul3A_315 = arith.mulf %get3A_313, %mul3A_314 : vector<16xf32>
      %add3A_316 = arith.addf %add3A_305, %mul3A_315 : vector<16xf32>
      %mul3A_317 = vector.broadcast %squeeze3A_83 : f32 to vector<16xf32>
      %mul3A_318 = arith.mulf %get3A_313, %mul3A_317 : vector<16xf32>
      %add3A_319 = arith.addf %add3A_308, %mul3A_318 : vector<16xf32>
      %get3A_320 = arith.constant 12 : i32
      %get3A_321 = arith.index_cast %get3A_320 : i32 to index
      %get3A_322 = arith.index_cast %mul3A_186 : i32 to index
      %get3A_323 = tpu.vector_load %arg6[%get3A_321, %get3A_322] {strides = array<i32>} : memref<19x2560xf32, #tpu.memory_space<vmem>>, vector<1x16xf32>,
      %get3A_324 = vector.shape_cast %get3A_323 : vector<1x16xf32> to vector<16xf32>
      %mul3A_325 = vector.broadcast %squeeze3A_47 : f32 to vector<16xf32>
      %mul3A_326 = arith.mulf %get3A_324, %mul3A_325 : vector<16xf32>
      %add3A_327 = arith.addf %add3A_316, %mul3A_326 : vector<16xf32>
      %mul3A_328 = vector.broadcast %squeeze3A_85 : f32 to vector<16xf32>
      %mul3A_329 = arith.mulf %get3A_324, %mul3A_328 : vector<16xf32>
      %add3A_330 = arith.addf %add3A_319, %mul3A_329 : vector<16xf32>
      %get3A_331 = arith.constant 13 : i32
      %get3A_332 = arith.index_cast %get3A_331 : i32 to index
      %get3A_333 = arith.index_cast %mul3A_186 : i32 to index
      %get3A_334 = tpu.vector_load %arg6[%get3A_332, %get3A_333] {strides = array<i32>} : memref<19x2560xf32, #tpu.memory_space<vmem>>, vector<1x16xf32>,
      %get3A_335 = vector.shape_cast %get3A_334 : vector<1x16xf32> to vector<16xf32>
      %mul3A_336 = vector.broadcast %squeeze3A_49 : f32 to vector<16xf32>
      %mul3A_337 = arith.mulf %get3A_335, %mul3A_336 : vector<16xf32>
      %add3A_338 = arith.addf %add3A_327, %mul3A_337 : vector<16xf32>
      %mul3A_339 = vector.broadcast %squeeze3A_87 : f32 to vector<16xf32>
      %mul3A_340 = arith.mulf %get3A_335, %mul3A_339 : vector<16xf32>
      %add3A_341 = arith.addf %add3A_330, %mul3A_340 : vector<16xf32>
      %get3A_342 = arith.constant 14 : i32
      %get3A_343 = arith.index_cast %get3A_342 : i32 to index
      %get3A_344 = arith.index_cast %mul3A_186 : i32 to index
      %get3A_345 = tpu.vector_load %arg6[%get3A_343, %get3A_344] {strides = array<i32>} : memref<19x2560xf32, #tpu.memory_space<vmem>>, vector<1x16xf32>,
      %get3A_346 = vector.shape_cast %get3A_345 : vector<1x16xf32> to vector<16xf32>
      %mul3A_347 = vector.broadcast %squeeze3A_51 : f32 to vector<16xf32>
      %mul3A_348 = arith.mulf %get3A_346, %mul3A_347 : vector<16xf32>
      %add3A_349 = arith.addf %add3A_338, %mul3A_348 : vector<16xf32>
      %mul3A_350 = vector.broadcast %squeeze3A_89 : f32 to vector<16xf32>
      %mul3A_351 = arith.mulf %get3A_346, %mul3A_350 : vector<16xf32>
      %add3A_352 = arith.addf %add3A_341, %mul3A_351 : vector<16xf32>
      %get3A_353 = arith.constant 15 : i32
      %get3A_354 = arith.index_cast %get3A_353 : i32 to index
      %get3A_355 = arith.index_cast %mul3A_186 : i32 to index
      %get3A_356 = tpu.vector_load %arg6[%get3A_354, %get3A_355] {strides = array<i32>} : memref<19x2560xf32, #tpu.memory_space<vmem>>, vector<1x16xf32>,
      %get3A_357 = vector.shape_cast %get3A_356 : vector<1x16xf32> to vector<16xf32>
      %mul3A_358 = vector.broadcast %squeeze3A_53 : f32 to vector<16xf32>
      %mul3A_359 = arith.mulf %get3A_357, %mul3A_358 : vector<16xf32>
      %add3A_360 = arith.addf %add3A_349, %mul3A_359 : vector<16xf32>
      %mul3A_361 = vector.broadcast %squeeze3A_91 : f32 to vector<16xf32>
      %mul3A_362 = arith.mulf %get3A_357, %mul3A_361 : vector<16xf32>
      %add3A_363 = arith.addf %add3A_352, %mul3A_362 : vector<16xf32>
      %get3A_364 = arith.constant 16 : i32
      %get3A_365 = arith.index_cast %get3A_364 : i32 to index
      %get3A_366 = arith.index_cast %mul3A_186 : i32 to index
      %get3A_367 = tpu.vector_load %arg6[%get3A_365, %get3A_366] {strides = array<i32>} : memref<19x2560xf32, #tpu.memory_space<vmem>>, vector<1x16xf32>,
      %get3A_368 = vector.shape_cast %get3A_367 : vector<1x16xf32> to vector<16xf32>
      %mul3A_369 = vector.broadcast %squeeze3A_55 : f32 to vector<16xf32>
      %mul3A_370 = arith.mulf %get3A_368, %mul3A_369 : vector<16xf32>
      %add3A_371 = arith.addf %add3A_360, %mul3A_370 : vector<16xf32>
      %mul3A_372 = vector.broadcast %squeeze3A_93 : f32 to vector<16xf32>
      %mul3A_373 = arith.mulf %get3A_368, %mul3A_372 : vector<16xf32>
      %add3A_374 = arith.addf %add3A_363, %mul3A_373 : vector<16xf32>
      %get3A_375 = arith.constant 17 : i32
      %get3A_376 = arith.index_cast %get3A_375 : i32 to index
      %get3A_377 = arith.index_cast %mul3A_186 : i32 to index
      %get3A_378 = tpu.vector_load %arg6[%get3A_376, %get3A_377] {strides = array<i32>} : memref<19x2560xf32, #tpu.memory_space<vmem>>, vector<1x16xf32>,
      %get3A_379 = vector.shape_cast %get3A_378 : vector<1x16xf32> to vector<16xf32>
      %mul3A_380 = vector.broadcast %squeeze3A_57 : f32 to vector<16xf32>
      %mul3A_381 = arith.mulf %get3A_379, %mul3A_380 : vector<16xf32>
      %add3A_382 = arith.addf %add3A_371, %mul3A_381 : vector<16xf32>
      %mul3A_383 = vector.broadcast %squeeze3A_95 : f32 to vector<16xf32>
      %mul3A_384 = arith.mulf %get3A_379, %mul3A_383 : vector<16xf32>
      %add3A_385 = arith.addf %add3A_374, %mul3A_384 : vector<16xf32>
      %get3A_386 = arith.constant 18 : i32
      %get3A_387 = arith.index_cast %get3A_386 : i32 to index
      %get3A_388 = arith.index_cast %mul3A_186 : i32 to index
      %get3A_389 = tpu.vector_load %arg6[%get3A_387, %get3A_388] {strides = array<i32>} : memref<19x2560xf32, #tpu.memory_space<vmem>>, vector<1x16xf32>,
      %get3A_390 = vector.shape_cast %get3A_389 : vector<1x16xf32> to vector<16xf32>
      %mul3A_391 = vector.broadcast %squeeze3A_59 : f32 to vector<16xf32>
      %mul3A_392 = arith.mulf %get3A_390, %mul3A_391 : vector<16xf32>
      %add3A_393 = arith.addf %add3A_382, %mul3A_392 : vector<16xf32>
      %mul3A_394 = vector.broadcast %squeeze3A_97 : f32 to vector<16xf32>
      %mul3A_395 = arith.mulf %get3A_390, %mul3A_394 : vector<16xf32>
      %add3A_396 = arith.addf %add3A_385, %mul3A_395 : vector<16xf32>
      %swap3A = arith.constant 0 : i32
      %swap3A_397 = arith.index_cast %swap3A : i32 to index
      %swap3A_398 = arith.index_cast %mul3A_186 : i32 to index
      %swap3A_399 = tpu.vector_load %arg7[%swap3A_397, %swap3A_398] {strides = array<i32>} : memref<2x2560xf32, #tpu.memory_space<vmem>>, vector<1x16xf32>,
      %swap3A_400 = vector.shape_cast %swap3A_399 : vector<1x16xf32> to vector<16xf32>
      %swap3A_401 = vector.shape_cast %add3A_393 : vector<16xf32> to vector<1x16xf32>
      tpu.vector_store %arg7[%swap3A_397, %swap3A_398], %swap3A_401 {strides = array<i32>} : memref<2x2560xf32, #tpu.memory_space<vmem>>, vector<1x16xf32>,
      %swap3A_402 = arith.constant 1 : i32
      %swap3A_403 = arith.index_cast %swap3A_402 : i32 to index
      %swap3A_404 = arith.index_cast %mul3A_186 : i32 to index
      %swap3A_405 = tpu.vector_load %arg7[%swap3A_403, %swap3A_404] {strides = array<i32>} : memref<2x2560xf32, #tpu.memory_space<vmem>>, vector<1x16xf32>,
      %swap3A_406 = vector.shape_cast %swap3A_405 : vector<1x16xf32> to vector<16xf32>
      %swap3A_407 = vector.shape_cast %add3A_396 : vector<16xf32> to vector<1x16xf32>
      tpu.vector_store %arg7[%swap3A_403, %swap3A_404], %swap3A_407 {strides = array<i32>} : memref<2x2560xf32, #tpu.memory_space<vmem>>, vector<1x16xf32>,
    }
    %scan3A_127 = arith.constant 160 : i32
    %dma_start3A_128 = arith.constant 2 : i32
    %dma_start3A_129 = arith.constant 0 : i32
    %dma_start3A_130 = tpu.memref_slice %arg4[%dma_start3A_129, %min3A_108] : memref<2x160000xf32, #tpu.memory_space<hbm>> -> memref<2x2560xf32, #tpu.memory_space<hbm>>
    %dma_start3A_131 = tpu.memref_slice %arg8[%dma_start3A_128] : memref<3x!tpu.dma_semaphore, #tpu.memory_space<semaphore_mem>> -> memref<1x!tpu.dma_semaphore, #tpu.memory_space<semaphore_mem>>
    %dma_start3A_132 = tpu.memref_squeeze %dma_start3A_131 : memref<1x!tpu.dma_semaphore, #tpu.memory_space<semaphore_mem>> -> memref<!tpu.dma_semaphore, #tpu.memory_space<semaphore_mem>>
    %dma_start3A_133 = arith.constant 0 : i32
    %dma_start3A_134 = tpu.memref_slice %arg4[%dma_start3A_133, %min3A_108] : memref<2x160000xf32, #tpu.memory_space<hbm>> -> memref<2x2560xf32, #tpu.memory_space<hbm>>
    tpu.enqueue_dma source(%arg7 : memref<2x2560xf32, #tpu.memory_space<vmem>>) target(%dma_start3A_134 : memref<2x2560xf32, #tpu.memory_space<hbm>>) target_semaphore(%dma_start3A_132 : memref<!tpu.dma_semaphore, #tpu.memory_space<semaphore_mem>>)
    %dma_wait3A_135 = arith.constant 2 : i32
    %dma_wait3A_136 = arith.constant 0 : i32
    %dma_wait3A_137 = tpu.memref_slice %arg4[%dma_wait3A_136, %min3A_108] : memref<2x160000xf32, #tpu.memory_space<hbm>> -> memref<2x2560xf32, #tpu.memory_space<hbm>>
    %dma_wait3A_138 = tpu.memref_slice %arg8[%dma_wait3A_135] : memref<3x!tpu.dma_semaphore, #tpu.memory_space<semaphore_mem>> -> memref<1x!tpu.dma_semaphore, #tpu.memory_space<semaphore_mem>>
    %dma_wait3A_139 = tpu.memref_squeeze %dma_wait3A_138 : memref<1x!tpu.dma_semaphore, #tpu.memory_space<semaphore_mem>> -> memref<!tpu.dma_semaphore, #tpu.memory_space<semaphore_mem>>
    %dma_wait3A_140 = arith.constant 0 : i32
    %dma_wait3A_141 = tpu.memref_slice %arg4[%dma_wait3A_140, %min3A_108] : memref<2x160000xf32, #tpu.memory_space<hbm>> -> memref<2x2560xf32, #tpu.memory_space<hbm>>
    tpu.wait_dma2 semaphore(%dma_wait3A_139 : memref<!tpu.dma_semaphore, #tpu.memory_space<semaphore_mem>>) src(%arg7 : memref<2x2560xf32, #tpu.memory_space<vmem>>) dst(%dma_wait3A_141 : memref<2x2560xf32, #tpu.memory_space<hbm>>)
    %mul3A_142 = arith.constant 2 : i32
    %mul3A_143 = arith.muli %add3A, %mul3A_142 : i32
    %add3A_144 = arith.constant 1 : i32
    %add3A_145 = arith.addi %mul3A_143, %add3A_144 : i32
    %mul3A_146 = arith.constant 2560 : i32
    %mul3A_147 = arith.muli %add3A_145, %mul3A_146 : i32
    %min3A_148 = arith.constant 157440 : i32
    %min3A_149 = arith.minsi %mul3A_147, %min3A_148 : i32
    %dma_start3A_150 = arith.constant 1 : i32
    %dma_start3A_151 = arith.constant 0 : i32
    %dma_start3A_152 = tpu.memref_slice %arg3[%dma_start3A_151, %min3A_149] : memref<19x160000xf32, #tpu.memory_space<hbm>> -> memref<19x2560xf32, #tpu.memory_space<hbm>>
    %dma_start3A_153 = tpu.memref_slice %arg8[%dma_start3A_150] : memref<3x!tpu.dma_semaphore, #tpu.memory_space<semaphore_mem>> -> memref<1x!tpu.dma_semaphore, #tpu.memory_space<semaphore_mem>>
    %dma_start3A_154 = tpu.memref_squeeze %dma_start3A_153 : memref<1x!tpu.dma_semaphore, #tpu.memory_space<semaphore_mem>> -> memref<!tpu.dma_semaphore, #tpu.memory_space<semaphore_mem>>
    %dma_start3A_155 = arith.constant 0 : i32
    %dma_start3A_156 = tpu.memref_slice %arg3[%dma_start3A_155, %min3A_149] : memref<19x160000xf32, #tpu.memory_space<hbm>> -> memref<19x2560xf32, #tpu.memory_space<hbm>>
    tpu.enqueue_dma source(%dma_start3A_156 : memref<19x2560xf32, #tpu.memory_space<hbm>>) target(%arg6 : memref<19x2560xf32, #tpu.memory_space<vmem>>) target_semaphore(%dma_start3A_154 : memref<!tpu.dma_semaphore, #tpu.memory_space<semaphore_mem>>)
    %dma_wait3A_157 = arith.constant 1 : i32
    %dma_wait3A_158 = arith.constant 0 : i32
    %dma_wait3A_159 = tpu.memref_slice %arg3[%dma_wait3A_158, %min3A_149] : memref<19x160000xf32, #tpu.memory_space<hbm>> -> memref<19x2560xf32, #tpu.memory_space<hbm>>
    %dma_wait3A_160 = tpu.memref_slice %arg8[%dma_wait3A_157] : memref<3x!tpu.dma_semaphore, #tpu.memory_space<semaphore_mem>> -> memref<1x!tpu.dma_semaphore, #tpu.memory_space<semaphore_mem>>
    %dma_wait3A_161 = tpu.memref_squeeze %dma_wait3A_160 : memref<1x!tpu.dma_semaphore, #tpu.memory_space<semaphore_mem>> -> memref<!tpu.dma_semaphore, #tpu.memory_space<semaphore_mem>>
    %dma_wait3A_162 = arith.constant 0 : i32
    %dma_wait3A_163 = tpu.memref_slice %arg3[%dma_wait3A_162, %min3A_149] : memref<19x160000xf32, #tpu.memory_space<hbm>> -> memref<19x2560xf32, #tpu.memory_space<hbm>>
    tpu.wait_dma2 semaphore(%dma_wait3A_161 : memref<!tpu.dma_semaphore, #tpu.memory_space<semaphore_mem>>) src(%dma_wait3A_163 : memref<19x2560xf32, #tpu.memory_space<hbm>>) dst(%arg6 : memref<19x2560xf32, #tpu.memory_space<vmem>>)
    %scan3A_164 = arith.constant 0 : i32
    %scan3A_165 = arith.constant 0 : i32
    %scan3A_166 = arith.constant 160 : i32
    %scan3A_167 = arith.addi %scan3A_165, %scan3A_166 : i32
    %scan3A_168 = arith.constant 1 : i32
    scf.for %scan3A_184 = %scan3A_165 to %scan3A_167 step %scan3A_168  : i32 {
      %mul3A_185 = arith.constant 16 : i32
      %mul3A_186 = arith.muli %scan3A_184, %mul3A_185 : i32
      %broadcast_in_dim3A = vector.broadcast %squeeze3A_99 : f32 to vector<16xf32>
      %broadcast_in_dim3A_187 = vector.broadcast %squeeze3A_101 : f32 to vector<16xf32>
      %get3A_188 = arith.constant 0 : i32
      %get3A_189 = arith.index_cast %get3A_188 : i32 to index
      %get3A_190 = arith.index_cast %mul3A_186 : i32 to index
      %get3A_191 = tpu.vector_load %arg6[%get3A_189, %get3A_190] {strides = array<i32>} : memref<19x2560xf32, #tpu.memory_space<vmem>>, vector<1x16xf32>,
      %get3A_192 = vector.shape_cast %get3A_191 : vector<1x16xf32> to vector<16xf32>
      %mul3A_193 = vector.broadcast %squeeze3A : f32 to vector<16xf32>
      %mul3A_194 = arith.mulf %get3A_192, %mul3A_193 : vector<16xf32>
      %add3A_195 = arith.addf %broadcast_in_dim3A, %mul3A_194 : vector<16xf32>
      %mul3A_196 = vector.broadcast %squeeze3A_61 : f32 to vector<16xf32>
      %mul3A_197 = arith.mulf %get3A_192, %mul3A_196 : vector<16xf32>
      %add3A_198 = arith.addf %broadcast_in_dim3A_187, %mul3A_197 : vector<16xf32>
      %get3A_199 = arith.constant 1 : i32
      %get3A_200 = arith.index_cast %get3A_199 : i32 to index
      %get3A_201 = arith.index_cast %mul3A_186 : i32 to index
      %get3A_202 = tpu.vector_load %arg6[%get3A_200, %get3A_201] {strides = array<i32>} : memref<19x2560xf32, #tpu.memory_space<vmem>>, vector<1x16xf32>,
      %get3A_203 = vector.shape_cast %get3A_202 : vector<1x16xf32> to vector<16xf32>
      %mul3A_204 = vector.broadcast %squeeze3A_25 : f32 to vector<16xf32>
      %mul3A_205 = arith.mulf %get3A_203, %mul3A_204 : vector<16xf32>
      %add3A_206 = arith.addf %add3A_195, %mul3A_205 : vector<16xf32>
      %mul3A_207 = vector.broadcast %squeeze3A_63 : f32 to vector<16xf32>
      %mul3A_208 = arith.mulf %get3A_203, %mul3A_207 : vector<16xf32>
      %add3A_209 = arith.addf %add3A_198, %mul3A_208 : vector<16xf32>
      %get3A_210 = arith.constant 2 : i32
      %get3A_211 = arith.index_cast %get3A_210 : i32 to index
      %get3A_212 = arith.index_cast %mul3A_186 : i32 to index
      %get3A_213 = tpu.vector_load %arg6[%get3A_211, %get3A_212] {strides = array<i32>} : memref<19x2560xf32, #tpu.memory_space<vmem>>, vector<1x16xf32>,
      %get3A_214 = vector.shape_cast %get3A_213 : vector<1x16xf32> to vector<16xf32>
      %mul3A_215 = vector.broadcast %squeeze3A_27 : f32 to vector<16xf32>
      %mul3A_216 = arith.mulf %get3A_214, %mul3A_215 : vector<16xf32>
      %add3A_217 = arith.addf %add3A_206, %mul3A_216 : vector<16xf32>
      %mul3A_218 = vector.broadcast %squeeze3A_65 : f32 to vector<16xf32>
      %mul3A_219 = arith.mulf %get3A_214, %mul3A_218 : vector<16xf32>
      %add3A_220 = arith.addf %add3A_209, %mul3A_219 : vector<16xf32>
      %get3A_221 = arith.constant 3 : i32
      %get3A_222 = arith.index_cast %get3A_221 : i32 to index
      %get3A_223 = arith.index_cast %mul3A_186 : i32 to index
      %get3A_224 = tpu.vector_load %arg6[%get3A_222, %get3A_223] {strides = array<i32>} : memref<19x2560xf32, #tpu.memory_space<vmem>>, vector<1x16xf32>,
      %get3A_225 = vector.shape_cast %get3A_224 : vector<1x16xf32> to vector<16xf32>
      %mul3A_226 = vector.broadcast %squeeze3A_29 : f32 to vector<16xf32>
      %mul3A_227 = arith.mulf %get3A_225, %mul3A_226 : vector<16xf32>
      %add3A_228 = arith.addf %add3A_217, %mul3A_227 : vector<16xf32>
      %mul3A_229 = vector.broadcast %squeeze3A_67 : f32 to vector<16xf32>
      %mul3A_230 = arith.mulf %get3A_225, %mul3A_229 : vector<16xf32>
      %add3A_231 = arith.addf %add3A_220, %mul3A_230 : vector<16xf32>
      %get3A_232 = arith.constant 4 : i32
      %get3A_233 = arith.index_cast %get3A_232 : i32 to index
      %get3A_234 = arith.index_cast %mul3A_186 : i32 to index
      %get3A_235 = tpu.vector_load %arg6[%get3A_233, %get3A_234] {strides = array<i32>} : memref<19x2560xf32, #tpu.memory_space<vmem>>, vector<1x16xf32>,
      %get3A_236 = vector.shape_cast %get3A_235 : vector<1x16xf32> to vector<16xf32>
      %mul3A_237 = vector.broadcast %squeeze3A_31 : f32 to vector<16xf32>
      %mul3A_238 = arith.mulf %get3A_236, %mul3A_237 : vector<16xf32>
      %add3A_239 = arith.addf %add3A_228, %mul3A_238 : vector<16xf32>
      %mul3A_240 = vector.broadcast %squeeze3A_69 : f32 to vector<16xf32>
      %mul3A_241 = arith.mulf %get3A_236, %mul3A_240 : vector<16xf32>
      %add3A_242 = arith.addf %add3A_231, %mul3A_241 : vector<16xf32>
      %get3A_243 = arith.constant 5 : i32
      %get3A_244 = arith.index_cast %get3A_243 : i32 to index
      %get3A_245 = arith.index_cast %mul3A_186 : i32 to index
      %get3A_246 = tpu.vector_load %arg6[%get3A_244, %get3A_245] {strides = array<i32>} : memref<19x2560xf32, #tpu.memory_space<vmem>>, vector<1x16xf32>,
      %get3A_247 = vector.shape_cast %get3A_246 : vector<1x16xf32> to vector<16xf32>
      %mul3A_248 = vector.broadcast %squeeze3A_33 : f32 to vector<16xf32>
      %mul3A_249 = arith.mulf %get3A_247, %mul3A_248 : vector<16xf32>
      %add3A_250 = arith.addf %add3A_239, %mul3A_249 : vector<16xf32>
      %mul3A_251 = vector.broadcast %squeeze3A_71 : f32 to vector<16xf32>
      %mul3A_252 = arith.mulf %get3A_247, %mul3A_251 : vector<16xf32>
      %add3A_253 = arith.addf %add3A_242, %mul3A_252 : vector<16xf32>
      %get3A_254 = arith.constant 6 : i32
      %get3A_255 = arith.index_cast %get3A_254 : i32 to index
      %get3A_256 = arith.index_cast %mul3A_186 : i32 to index
      %get3A_257 = tpu.vector_load %arg6[%get3A_255, %get3A_256] {strides = array<i32>} : memref<19x2560xf32, #tpu.memory_space<vmem>>, vector<1x16xf32>,
      %get3A_258 = vector.shape_cast %get3A_257 : vector<1x16xf32> to vector<16xf32>
      %mul3A_259 = vector.broadcast %squeeze3A_35 : f32 to vector<16xf32>
      %mul3A_260 = arith.mulf %get3A_258, %mul3A_259 : vector<16xf32>
      %add3A_261 = arith.addf %add3A_250, %mul3A_260 : vector<16xf32>
      %mul3A_262 = vector.broadcast %squeeze3A_73 : f32 to vector<16xf32>
      %mul3A_263 = arith.mulf %get3A_258, %mul3A_262 : vector<16xf32>
      %add3A_264 = arith.addf %add3A_253, %mul3A_263 : vector<16xf32>
      %get3A_265 = arith.constant 7 : i32
      %get3A_266 = arith.index_cast %get3A_265 : i32 to index
      %get3A_267 = arith.index_cast %mul3A_186 : i32 to index
      %get3A_268 = tpu.vector_load %arg6[%get3A_266, %get3A_267] {strides = array<i32>} : memref<19x2560xf32, #tpu.memory_space<vmem>>, vector<1x16xf32>,
      %get3A_269 = vector.shape_cast %get3A_268 : vector<1x16xf32> to vector<16xf32>
      %mul3A_270 = vector.broadcast %squeeze3A_37 : f32 to vector<16xf32>
      %mul3A_271 = arith.mulf %get3A_269, %mul3A_270 : vector<16xf32>
      %add3A_272 = arith.addf %add3A_261, %mul3A_271 : vector<16xf32>
      %mul3A_273 = vector.broadcast %squeeze3A_75 : f32 to vector<16xf32>
      %mul3A_274 = arith.mulf %get3A_269, %mul3A_273 : vector<16xf32>
      %add3A_275 = arith.addf %add3A_264, %mul3A_274 : vector<16xf32>
      %get3A_276 = arith.constant 8 : i32
      %get3A_277 = arith.index_cast %get3A_276 : i32 to index
      %get3A_278 = arith.index_cast %mul3A_186 : i32 to index
      %get3A_279 = tpu.vector_load %arg6[%get3A_277, %get3A_278] {strides = array<i32>} : memref<19x2560xf32, #tpu.memory_space<vmem>>, vector<1x16xf32>,
      %get3A_280 = vector.shape_cast %get3A_279 : vector<1x16xf32> to vector<16xf32>
      %mul3A_281 = vector.broadcast %squeeze3A_39 : f32 to vector<16xf32>
      %mul3A_282 = arith.mulf %get3A_280, %mul3A_281 : vector<16xf32>
      %add3A_283 = arith.addf %add3A_272, %mul3A_282 : vector<16xf32>
      %mul3A_284 = vector.broadcast %squeeze3A_77 : f32 to vector<16xf32>
      %mul3A_285 = arith.mulf %get3A_280, %mul3A_284 : vector<16xf32>
      %add3A_286 = arith.addf %add3A_275, %mul3A_285 : vector<16xf32>
      %get3A_287 = arith.constant 9 : i32
      %get3A_288 = arith.index_cast %get3A_287 : i32 to index
      %get3A_289 = arith.index_cast %mul3A_186 : i32 to index
      %get3A_290 = tpu.vector_load %arg6[%get3A_288, %get3A_289] {strides = array<i32>} : memref<19x2560xf32, #tpu.memory_space<vmem>>, vector<1x16xf32>,
      %get3A_291 = vector.shape_cast %get3A_290 : vector<1x16xf32> to vector<16xf32>
      %mul3A_292 = vector.broadcast %squeeze3A_41 : f32 to vector<16xf32>
      %mul3A_293 = arith.mulf %get3A_291, %mul3A_292 : vector<16xf32>
      %add3A_294 = arith.addf %add3A_283, %mul3A_293 : vector<16xf32>
      %mul3A_295 = vector.broadcast %squeeze3A_79 : f32 to vector<16xf32>
      %mul3A_296 = arith.mulf %get3A_291, %mul3A_295 : vector<16xf32>
      %add3A_297 = arith.addf %add3A_286, %mul3A_296 : vector<16xf32>
      %get3A_298 = arith.constant 10 : i32
      %get3A_299 = arith.index_cast %get3A_298 : i32 to index
      %get3A_300 = arith.index_cast %mul3A_186 : i32 to index
      %get3A_301 = tpu.vector_load %arg6[%get3A_299, %get3A_300] {strides = array<i32>} : memref<19x2560xf32, #tpu.memory_space<vmem>>, vector<1x16xf32>,
      %get3A_302 = vector.shape_cast %get3A_301 : vector<1x16xf32> to vector<16xf32>
      %mul3A_303 = vector.broadcast %squeeze3A_43 : f32 to vector<16xf32>
      %mul3A_304 = arith.mulf %get3A_302, %mul3A_303 : vector<16xf32>
      %add3A_305 = arith.addf %add3A_294, %mul3A_304 : vector<16xf32>
      %mul3A_306 = vector.broadcast %squeeze3A_81 : f32 to vector<16xf32>
      %mul3A_307 = arith.mulf %get3A_302, %mul3A_306 : vector<16xf32>
      %add3A_308 = arith.addf %add3A_297, %mul3A_307 : vector<16xf32>
      %get3A_309 = arith.constant 11 : i32
      %get3A_310 = arith.index_cast %get3A_309 : i32 to index
      %get3A_311 = arith.index_cast %mul3A_186 : i32 to index
      %get3A_312 = tpu.vector_load %arg6[%get3A_310, %get3A_311] {strides = array<i32>} : memref<19x2560xf32, #tpu.memory_space<vmem>>, vector<1x16xf32>,
      %get3A_313 = vector.shape_cast %get3A_312 : vector<1x16xf32> to vector<16xf32>
      %mul3A_314 = vector.broadcast %squeeze3A_45 : f32 to vector<16xf32>
      %mul3A_315 = arith.mulf %get3A_313, %mul3A_314 : vector<16xf32>
      %add3A_316 = arith.addf %add3A_305, %mul3A_315 : vector<16xf32>
      %mul3A_317 = vector.broadcast %squeeze3A_83 : f32 to vector<16xf32>
      %mul3A_318 = arith.mulf %get3A_313, %mul3A_317 : vector<16xf32>
      %add3A_319 = arith.addf %add3A_308, %mul3A_318 : vector<16xf32>
      %get3A_320 = arith.constant 12 : i32
      %get3A_321 = arith.index_cast %get3A_320 : i32 to index
      %get3A_322 = arith.index_cast %mul3A_186 : i32 to index
      %get3A_323 = tpu.vector_load %arg6[%get3A_321, %get3A_322] {strides = array<i32>} : memref<19x2560xf32, #tpu.memory_space<vmem>>, vector<1x16xf32>,
      %get3A_324 = vector.shape_cast %get3A_323 : vector<1x16xf32> to vector<16xf32>
      %mul3A_325 = vector.broadcast %squeeze3A_47 : f32 to vector<16xf32>
      %mul3A_326 = arith.mulf %get3A_324, %mul3A_325 : vector<16xf32>
      %add3A_327 = arith.addf %add3A_316, %mul3A_326 : vector<16xf32>
      %mul3A_328 = vector.broadcast %squeeze3A_85 : f32 to vector<16xf32>
      %mul3A_329 = arith.mulf %get3A_324, %mul3A_328 : vector<16xf32>
      %add3A_330 = arith.addf %add3A_319, %mul3A_329 : vector<16xf32>
      %get3A_331 = arith.constant 13 : i32
      %get3A_332 = arith.index_cast %get3A_331 : i32 to index
      %get3A_333 = arith.index_cast %mul3A_186 : i32 to index
      %get3A_334 = tpu.vector_load %arg6[%get3A_332, %get3A_333] {strides = array<i32>} : memref<19x2560xf32, #tpu.memory_space<vmem>>, vector<1x16xf32>,
      %get3A_335 = vector.shape_cast %get3A_334 : vector<1x16xf32> to vector<16xf32>
      %mul3A_336 = vector.broadcast %squeeze3A_49 : f32 to vector<16xf32>
      %mul3A_337 = arith.mulf %get3A_335, %mul3A_336 : vector<16xf32>
      %add3A_338 = arith.addf %add3A_327, %mul3A_337 : vector<16xf32>
      %mul3A_339 = vector.broadcast %squeeze3A_87 : f32 to vector<16xf32>
      %mul3A_340 = arith.mulf %get3A_335, %mul3A_339 : vector<16xf32>
      %add3A_341 = arith.addf %add3A_330, %mul3A_340 : vector<16xf32>
      %get3A_342 = arith.constant 14 : i32
      %get3A_343 = arith.index_cast %get3A_342 : i32 to index
      %get3A_344 = arith.index_cast %mul3A_186 : i32 to index
      %get3A_345 = tpu.vector_load %arg6[%get3A_343, %get3A_344] {strides = array<i32>} : memref<19x2560xf32, #tpu.memory_space<vmem>>, vector<1x16xf32>,
      %get3A_346 = vector.shape_cast %get3A_345 : vector<1x16xf32> to vector<16xf32>
      %mul3A_347 = vector.broadcast %squeeze3A_51 : f32 to vector<16xf32>
      %mul3A_348 = arith.mulf %get3A_346, %mul3A_347 : vector<16xf32>
      %add3A_349 = arith.addf %add3A_338, %mul3A_348 : vector<16xf32>
      %mul3A_350 = vector.broadcast %squeeze3A_89 : f32 to vector<16xf32>
      %mul3A_351 = arith.mulf %get3A_346, %mul3A_350 : vector<16xf32>
      %add3A_352 = arith.addf %add3A_341, %mul3A_351 : vector<16xf32>
      %get3A_353 = arith.constant 15 : i32
      %get3A_354 = arith.index_cast %get3A_353 : i32 to index
      %get3A_355 = arith.index_cast %mul3A_186 : i32 to index
      %get3A_356 = tpu.vector_load %arg6[%get3A_354, %get3A_355] {strides = array<i32>} : memref<19x2560xf32, #tpu.memory_space<vmem>>, vector<1x16xf32>,
      %get3A_357 = vector.shape_cast %get3A_356 : vector<1x16xf32> to vector<16xf32>
      %mul3A_358 = vector.broadcast %squeeze3A_53 : f32 to vector<16xf32>
      %mul3A_359 = arith.mulf %get3A_357, %mul3A_358 : vector<16xf32>
      %add3A_360 = arith.addf %add3A_349, %mul3A_359 : vector<16xf32>
      %mul3A_361 = vector.broadcast %squeeze3A_91 : f32 to vector<16xf32>
      %mul3A_362 = arith.mulf %get3A_357, %mul3A_361 : vector<16xf32>
      %add3A_363 = arith.addf %add3A_352, %mul3A_362 : vector<16xf32>
      %get3A_364 = arith.constant 16 : i32
      %get3A_365 = arith.index_cast %get3A_364 : i32 to index
      %get3A_366 = arith.index_cast %mul3A_186 : i32 to index
      %get3A_367 = tpu.vector_load %arg6[%get3A_365, %get3A_366] {strides = array<i32>} : memref<19x2560xf32, #tpu.memory_space<vmem>>, vector<1x16xf32>,
      %get3A_368 = vector.shape_cast %get3A_367 : vector<1x16xf32> to vector<16xf32>
      %mul3A_369 = vector.broadcast %squeeze3A_55 : f32 to vector<16xf32>
      %mul3A_370 = arith.mulf %get3A_368, %mul3A_369 : vector<16xf32>
      %add3A_371 = arith.addf %add3A_360, %mul3A_370 : vector<16xf32>
      %mul3A_372 = vector.broadcast %squeeze3A_93 : f32 to vector<16xf32>
      %mul3A_373 = arith.mulf %get3A_368, %mul3A_372 : vector<16xf32>
      %add3A_374 = arith.addf %add3A_363, %mul3A_373 : vector<16xf32>
      %get3A_375 = arith.constant 17 : i32
      %get3A_376 = arith.index_cast %get3A_375 : i32 to index
      %get3A_377 = arith.index_cast %mul3A_186 : i32 to index
      %get3A_378 = tpu.vector_load %arg6[%get3A_376, %get3A_377] {strides = array<i32>} : memref<19x2560xf32, #tpu.memory_space<vmem>>, vector<1x16xf32>,
      %get3A_379 = vector.shape_cast %get3A_378 : vector<1x16xf32> to vector<16xf32>
      %mul3A_380 = vector.broadcast %squeeze3A_57 : f32 to vector<16xf32>
      %mul3A_381 = arith.mulf %get3A_379, %mul3A_380 : vector<16xf32>
      %add3A_382 = arith.addf %add3A_371, %mul3A_381 : vector<16xf32>
      %mul3A_383 = vector.broadcast %squeeze3A_95 : f32 to vector<16xf32>
      %mul3A_384 = arith.mulf %get3A_379, %mul3A_383 : vector<16xf32>
      %add3A_385 = arith.addf %add3A_374, %mul3A_384 : vector<16xf32>
      %get3A_386 = arith.constant 18 : i32
      %get3A_387 = arith.index_cast %get3A_386 : i32 to index
      %get3A_388 = arith.index_cast %mul3A_186 : i32 to index
      %get3A_389 = tpu.vector_load %arg6[%get3A_387, %get3A_388] {strides = array<i32>} : memref<19x2560xf32, #tpu.memory_space<vmem>>, vector<1x16xf32>,
      %get3A_390 = vector.shape_cast %get3A_389 : vector<1x16xf32> to vector<16xf32>
      %mul3A_391 = vector.broadcast %squeeze3A_59 : f32 to vector<16xf32>
      %mul3A_392 = arith.mulf %get3A_390, %mul3A_391 : vector<16xf32>
      %add3A_393 = arith.addf %add3A_382, %mul3A_392 : vector<16xf32>
      %mul3A_394 = vector.broadcast %squeeze3A_97 : f32 to vector<16xf32>
      %mul3A_395 = arith.mulf %get3A_390, %mul3A_394 : vector<16xf32>
      %add3A_396 = arith.addf %add3A_385, %mul3A_395 : vector<16xf32>
      %swap3A = arith.constant 0 : i32
      %swap3A_397 = arith.index_cast %swap3A : i32 to index
      %swap3A_398 = arith.index_cast %mul3A_186 : i32 to index
      %swap3A_399 = tpu.vector_load %arg7[%swap3A_397, %swap3A_398] {strides = array<i32>} : memref<2x2560xf32, #tpu.memory_space<vmem>>, vector<1x16xf32>,
      %swap3A_400 = vector.shape_cast %swap3A_399 : vector<1x16xf32> to vector<16xf32>
      %swap3A_401 = vector.shape_cast %add3A_393 : vector<16xf32> to vector<1x16xf32>
      tpu.vector_store %arg7[%swap3A_397, %swap3A_398], %swap3A_401 {strides = array<i32>} : memref<2x2560xf32, #tpu.memory_space<vmem>>, vector<1x16xf32>,
      %swap3A_402 = arith.constant 1 : i32
      %swap3A_403 = arith.index_cast %swap3A_402 : i32 to index
      %swap3A_404 = arith.index_cast %mul3A_186 : i32 to index
      %swap3A_405 = tpu.vector_load %arg7[%swap3A_403, %swap3A_404] {strides = array<i32>} : memref<2x2560xf32, #tpu.memory_space<vmem>>, vector<1x16xf32>,
      %swap3A_406 = vector.shape_cast %swap3A_405 : vector<1x16xf32> to vector<16xf32>
      %swap3A_407 = vector.shape_cast %add3A_396 : vector<16xf32> to vector<1x16xf32>
      tpu.vector_store %arg7[%swap3A_403, %swap3A_404], %swap3A_407 {strides = array<i32>} : memref<2x2560xf32, #tpu.memory_space<vmem>>, vector<1x16xf32>,
    }
    %scan3A_169 = arith.constant 160 : i32
    %dma_start3A_170 = arith.constant 2 : i32
    %dma_start3A_171 = arith.constant 0 : i32
    %dma_start3A_172 = tpu.memref_slice %arg4[%dma_start3A_171, %min3A_149] : memref<2x160000xf32, #tpu.memory_space<hbm>> -> memref<2x2560xf32, #tpu.memory_space<hbm>>
    %dma_start3A_173 = tpu.memref_slice %arg8[%dma_start3A_170] : memref<3x!tpu.dma_semaphore, #tpu.memory_space<semaphore_mem>> -> memref<1x!tpu.dma_semaphore, #tpu.memory_space<semaphore_mem>>
    %dma_start3A_174 = tpu.memref_squeeze %dma_start3A_173 : memref<1x!tpu.dma_semaphore, #tpu.memory_space<semaphore_mem>> -> memref<!tpu.dma_semaphore, #tpu.memory_space<semaphore_mem>>
    %dma_start3A_175 = arith.constant 0 : i32
    %dma_start3A_176 = tpu.memref_slice %arg4[%dma_start3A_175, %min3A_149] : memref<2x160000xf32, #tpu.memory_space<hbm>> -> memref<2x2560xf32, #tpu.memory_space<hbm>>
    tpu.enqueue_dma source(%arg7 : memref<2x2560xf32, #tpu.memory_space<vmem>>) target(%dma_start3A_176 : memref<2x2560xf32, #tpu.memory_space<hbm>>) target_semaphore(%dma_start3A_174 : memref<!tpu.dma_semaphore, #tpu.memory_space<semaphore_mem>>)
    %dma_wait3A_177 = arith.constant 2 : i32
    %dma_wait3A_178 = arith.constant 0 : i32
    %dma_wait3A_179 = tpu.memref_slice %arg4[%dma_wait3A_178, %min3A_149] : memref<2x160000xf32, #tpu.memory_space<hbm>> -> memref<2x2560xf32, #tpu.memory_space<hbm>>
    %dma_wait3A_180 = tpu.memref_slice %arg8[%dma_wait3A_177] : memref<3x!tpu.dma_semaphore, #tpu.memory_space<semaphore_mem>> -> memref<1x!tpu.dma_semaphore, #tpu.memory_space<semaphore_mem>>
    %dma_wait3A_181 = tpu.memref_squeeze %dma_wait3A_180 : memref<1x!tpu.dma_semaphore, #tpu.memory_space<semaphore_mem>> -> memref<!tpu.dma_semaphore, #tpu.memory_space<semaphore_mem>>
    %dma_wait3A_182 = arith.constant 0 : i32
    %dma_wait3A_183 = tpu.memref_slice %arg4[%dma_wait3A_182, %min3A_149] : memref<2x160000xf32, #tpu.memory_space<hbm>> -> memref<2x2560xf32, #tpu.memory_space<hbm>>
    tpu.wait_dma2 semaphore(%dma_wait3A_181 : memref<!tpu.dma_semaphore, #tpu.memory_space<semaphore_mem>>) src(%arg7 : memref<2x2560xf32, #tpu.memory_space<vmem>>) dst(%dma_wait3A_183 : memref<2x2560xf32, #tpu.memory_space<hbm>>)
    return
  }
}

</mosaic_0001>

<sc_bundles>
// kernel: kernel.3.cloned.1.call-start
scs
__scs_entry_jumppad:
0x0: {  	(pc) =	sbr.rel $0x88, $3  }
0x1: {  	(tag) =	ssettag $0x0;
	lr =	simm.s32 $0x1  }
0x2: {  	[smem:$0x3F9E] =	sst lr;
	_ =	strace $0xD0000000  }
0x3: {  	_ = 	snop  }
0x4: {  	_ = 	snop  }
0x5: {  	_ = 	snop  }
0x6: {  	_ = 	snop  }
0x7: {  	_ = 	snop  }
__scs_overlays_trampoline_lowered:
0x8: {  	[smem:$0x3FAD] =	sst s0  }
0x9: {  	[smem:$0x3FAE] =	sst s1  }
0xa: {  	[smem:$0x3FAF] =	sst s2  }
0xb: {  	[smem:$0x3FB0] =	sst s3  }
0xc: {  	[smem:$0x3FB1] =	sst s4  }
0xd: {  	[smem:$0x3FB2] =	sst s5  }
0xe: {  	[smem:$0x3FB3] =	sst s6  }
0xf: {  	[smem:$0x3FB4] =	sst s7  }
0x10: {  	[smem:$0x3FB5] =	sst s8  }
0x11: {  	[smem:$0x3FB6] =	sst s9;
	s0 =	simm.s32 @!p0 $0x0  }
0x12: {  	s1 =	sld [smem:$0x3F9C];
	s0 =	simm.s32 @p0 $0x1  }
0x13: {  	[smem:$0x3FB7] =	sst s0;
	s0 =	simm.s32 @!p1 $0x0  }
0x14: {  	s2 =	sld [smem:$0x3F9B];
	s0 =	simm.s32 @p1 $0x1  }
0x15: {  	[smem:$0x3FB8] =	sst s0;
	s0 =	simm.s32 @!p2 $0x0  }
0x16: {  	s3 =	sld [smem:$0x3FDB];
	s0 =	simm.s32 @p2 $0x1  }
0x17: {  	s4 =	simm.s32 $0x1BF5;
	[smem:$0x3FBA] =	sst s0  }
0x18: {  	s0 =	sld [smem:$0x3F9D];
	_ =	swait.ge [sflag:s4], $0x0  }
0x19: {  	s7 =	sld [smem:$0x3F9E]  }
0x1a: {  	s8 =	sadd.s32 $0xFFFFE003, lr  }
0x1b: {  	s9 =	sadd.s32 $0xFFFFFEF7, lr;
	s5 =	simm.s32 $0xFFFFFFFF;
	p2 =	slt.u32 s8, $0xFFFFF086  }
0x1c: {  	p1 =	slt.u32 s9, $0xF7A;
	s5 =	simm.s32 @!p2 $0x0  }
0x1d: {  	s5 =	simm.s32 @p1 $0x1;
	p0 =	seq.s32 s7, s2  }
0x1e: {  	s7 =	smul.u32 @!p0 $0xF7A, s2;
	p2 =	seq.s32 @!p0 s5, $0x0  }
0x1f: {  	s9 =	smul.u32 $0xF7A, s1;
	s8 =	simm.s32 @!p0 $0x1BF5;
	p2 =	por !p2, p0  }
0x20: {  	[sflag:s8] =	ssyncset.s32 @!p0 $0xFFFFF086;
	s6 =	sadd.s32 @!p0 s3, s7;
	s7 =	simm.s32 @!p0 $0x108  }
0x21: {  	s3 =	sadd.s32 s3, s9;
	s6 =	sadd.s32 @!p0 $0x88, s6;
	s7 =	simm.s32 @p2 $0x1082  }
0x22: {  	[simem:s7], [sflag:s8] =	dma.local @!p0 [hbm:s6], $0xF7A  }
0x23: {  	s9 =	sor.u32 $0xD0000000, s2;
	s6 =	simm.s32 $0x108;
	_ =	swait.ge @!p0 [sflag:s8], $0x0  }
0x24: {  	s3 =	sadd.s32 $0x88, s3;
	s6 =	simm.s32 @!p1 $0x1082;
	[sflag:s4] =	ssyncset.s32 $0xFFFFF086  }
0x25: {  	[simem:s6], [sflag:s4] =	dma.local [hbm:s3], $0xF7A  }
0x26: {  	[smem:$0x3F9E] =	sst s1;
	(tag) =	ssettag s2;
	_ =	strace s9  }
0x27: {  	s1 =	sld [smem:$0x3FAE]  }
0x28: {  	s2 =	sld [smem:$0x3FAF]  }
0x29: {  	s4 =	sld [smem:$0x3FB1]  }
0x2a: {  	p0 =	seq.s32 s5, $0x0;
	s5 =	sld [smem:$0x3FB2]  }
0x2b: {  	s6 =	sld [smem:$0x3FB3]  }
0x2c: {  	s7 =	sld [smem:$0x3FB4]  }
0x2d: {  	s3 =	simm.s32 $0x108;
	s8 =	sld [smem:$0x3FB5]  }
0x2e: {  	s3 =	simm.s32 @!p0 $0x1082;
	s9 =	sld [smem:$0x3FB6]  }
0x2f: {  	lr =	sadd.s32 s0, s3;
	s0 =	sld [smem:$0x3FAD]  }
0x30: {  	s3 =	sld [smem:$0x3FB0]  }
0x31: {  	[smem:$0x3FB9] =	sst s10  }
0x32: {  	s10 =	sld [smem:$0x3FB7];
	_ =	sdelay $0x3  }
0x33: {  	p0 =	seq.s32 s10, $0x1;
	s10 =	sld [smem:$0x3FB9];
	_ =	sdelay $0x3  }
0x34: {  	[smem:$0x3FB9] =	sst s10  }
0x35: {  	s10 =	sld [smem:$0x3FB8];
	_ =	sdelay $0x3  }
0x36: {  	p1 =	seq.s32 s10, $0x1;
	s10 =	sld [smem:$0x3FB9];
	_ =	sdelay $0x3  }
0x37: {  	[smem:$0x3FB9] =	sst s10  }
0x38: {  	s10 =	sld [smem:$0x3FBA]  }
0x39: {  	_ = 	snop;
	(pc) =	sbr.ind lr, $3  }
0x3a: {  	_ = 	snop  }
0x3b: {  	_ = 	snop  }
0x3c: {  	p2 =	seq.s32 s10, $0x1;
	s10 =	sld [smem:$0x3FB9]  }
0x3d: {  	_ =	shalt  }
0x3e: {  	_ =	shalt  }
0x3f: {  	_ =	shalt  }
0x40: {  	_ =	shalt  }
0x41: {  	_ =	shalt  }
0x42: {  	_ =	shalt  }
0x43: {  	_ =	shalt  }
0x44: {  	_ =	shalt  }
0x45: {  	_ =	shalt  }
0x46: {  	_ =	shalt  }
0x47: {  	_ =	shalt  }
0x48: {  	_ =	shalt  }
0x49: {  	_ =	shalt  }
0x4a: {  	_ =	shalt  }
0x4b: {  	_ =	shalt  }
0x4c: {  	_ =	shalt  }
0x4d: {  	_ =	shalt  }
0x4e: {  	_ =	shalt  }
0x4f: {  	_ =	shalt  }
0x50: {  	_ =	shalt  }
0x51: {  	_ =	shalt  }
0x52: {  	_ =	shalt  }
0x53: {  	_ =	shalt  }
0x54: {  	_ =	shalt  }
0x55: {  	_ =	shalt  }
0x56: {  	_ =	shalt  }
0x57: {  	_ =	shalt  }
0x58: {  	_ =	shalt  }
0x59: {  	_ =	shalt  }
0x5a: {  	_ =	shalt  }
0x5b: {  	_ =	shalt  }
0x5c: {  	_ =	shalt  }
0x5d: {  	_ =	shalt  }
0x5e: {  	_ =	shalt  }
0x5f: {  	_ =	shalt  }
0x60: {  	_ =	shalt  }
0x61: {  	_ =	shalt  }
0x62: {  	_ =	shalt  }
0x63: {  	_ =	shalt  }
0x64: {  	_ =	shalt  }
0x65: {  	_ =	shalt  }
0x66: {  	_ =	shalt  }
0x67: {  	_ =	shalt  }
0x68: {  	_ =	shalt  }
0x69: {  	_ =	shalt  }
0x6a: {  	_ =	shalt  }
0x6b: {  	_ =	shalt  }
0x6c: {  	_ =	shalt  }
0x6d: {  	_ =	shalt  }
0x6e: {  	_ =	shalt  }
0x6f: {  	_ =	shalt  }
0x70: {  	_ =	shalt  }
0x71: {  	_ =	shalt  }
0x72: {  	_ =	shalt  }
0x73: {  	_ =	shalt  }
0x74: {  	_ =	shalt  }
0x75: {  	_ =	shalt  }
0x76: {  	_ =	shalt  }
0x77: {  	_ =	shalt  }
0x78: {  	_ =	shalt  }
0x79: {  	_ =	shalt  }
0x7a: {  	_ =	shalt  }
0x7b: {  	_ =	shalt  }
0x7c: {  	_ =	shalt  }
0x7d: {  	_ =	shalt  }
0x7e: {  	_ =	shalt  }
0x7f: {  	_ =	shalt  }
0x80: {  	_ =	shalt  }
0x81: {  	_ =	shalt  }
0x82: {  	_ =	shalt  }
0x83: {  	_ =	shalt  }
0x84: {  	_ =	shalt  }
0x85: {  	_ =	shalt  }
0x86: {  	_ =	shalt  }
0x87: {  	_ =	shalt  }
.Lfunc_end0:
.L_simem_size_0:
called_computation_lowered:
.L_overlay_start_0:
0x88: {  	s2 =	sld [smem:$0x3FD9]  }
0x89: {  	s3 =	sld [smem:$0x3FFE];
	_ =	sdelay $0x1  }
0x8a: {  	s1 =	srdreg.scid  }
0x8b: {  	s0 =	sand.u32 $0x1, s1  }
0x8c: {  	s17 =	sshll.u32 s0, $0xA;
	s2 =	sadd.s32 s3, s2  }
0x8d: {  	s2 =	sadd.s32 s2, s17  }
0x8e: {  	[smem:$0x3FC5] =	sst s2  }
0x8f: {  	_ = 	snop  }
0x90: {  	s2 =	sld [smem:$0x3FC9]  }
0x91: {  	s18 =	sld [smem:$0x3FD0];
	(tm) =	ssettm $0x1  }
0x92: {  	s4 =	sld [smem:$0x3FFB];
	_ =	sdelay $0x3  }
0x93: {  	_ =	strace s4  }
0x94: {  	s4 =	sld [smem:$0x3FFC];
	_ =	sdelay $0x3  }
0x95: {  	_ =	strace s4  }
0x96: {  	s4 =	sld [smem:$0x3FFD];
	_ =	sdelay $0x3  }
0x97: {  	_ =	strace s4  }
0x98: {  	_ =	strace $0x8FFFFFFF  }
0x99: {  	s19 =	sld [smem:$0x3FDB];
	_ =	sdelay $0x1  }
0x9a: {  	s5 =	simm.s32 $_scs_section_size  }
0x9b: {  	s6 =	simm.s32 $_size__tile_overlayer_lowered;
	s7 =	simm.s32 $_tile_overlayer_lowered  }
0x9c: {  	s22 =	simm.s32 $0x1BFF;
	s21 =	sshll.u32 s7, $0x1;
	s4 =	sadd.s32 s5, s19  }
0x9d: {  	s8 =	simm.s32 $0x0;
	s20 =	sshll.u32 s6, $0x1;
	s6 =	sadd.s32 s21, s4  }
0x9e: {  	[timem:s8], [sflag:s22] =	dma.local [hbm:s6], s20  }
0x9f: {  	_ =	swait.ge [sflag:s22], s20  }
0xa0: {  	s5 =	ssub.s32 $0x0, s20;
	[sflag:s22] =	ssyncset.done $0x0  }
0xa1: {  	[sflag:s22] =	ssyncadd.s32 s5;
	_ =	sdelay $0x1  }
0xa2: {  	s23 =	simm.s32 $0x1B8B  }
0xa3: {  	_ =	swait.ge [sflag:s23], $0x1  }
0xa4: {  	[sflag:s23] =	ssyncset.done $0x0  }
0xa5: {  	s25 =	simm.s32 $0x1B8E;
	s24 =	sld [smem:$0x3FFE];
	[sflag:s23] =	ssyncadd.s32 $0xFFFFFFFF  }
0xa6: {  	s26 =	simm.s32 $execute0_lowered;
	[smem:$0x3FD2] =	sst s25  }
0xa7: {  	s6 =	sshll.u32 s26, $0x1;
	_ =	strace $0x80000046;
	[dreg:$0x1] =	wrdreg $0xFFFFFFFF  }
0xa8: {  	s28 =	simm.s32 $_size_execute0_lowered;
	s4 =	sadd.s32 s4, s6;
	[dreg:$0x0] =	wrdreg $0x0  }
0xa9: {  	s6 =	sshll.u32 s28, $0x1;
	[dreg:$0x2] =	wrdreg s4  }
0xaa: {  	[dreg:$0x3] =	wrdreg s6  }
0xab: {  	[dreg:$0x4] =	wrdreg $0xC0  }
0xac: {  	_ =	task [dreg:s8], $0x5FFFF  }
0xad: {  	[dreg:$0x1] =	wrdreg $0xFFFFFFFF  }
0xae: {  	[dreg:$0x0] =	wrdreg $0x60  }
0xaf: {  	[dreg:$0x2] =	wrdreg s24  }
0xb0: {  	[dreg:$0x3] =	wrdreg s2  }
0xb1: {  	[dreg:$0x4] =	wrdreg s18  }
0xb2: {  	[dreg:$0x5] =	wrdreg $0x9  }
0xb3: {  	_ =	task.clear_ibuf [dreg:s8], $0x6FFFF;
	_ =	strace $0x90000046  }
0xb4: {  	s29 =	simm.s32 $0x9;
	_ =	strace $0x80000048  }
0xb5: {  	_ =	swait.ge [sflag:s29], $0x1  }
0xb6: {  	[sflag:s29] =	ssyncadd.s32 $0xFFFFFFFF  }
0xb7: {  	_ =	strace $0x90000048  }
0xb8: {  	_ =	sfence  }
0xb9: {  	s30 =	sld [smem:$0x0];
	_ =	sdelay $0x2  }
0xba: {  	s31 =	sshll.u32 s1, $0xD;
	s1 =	sshrl.u32 s1, $0x2  }
0xbb: {  	s3 =	sand.u32 $0x4000, s31;
	s1 =	sadd.s32 s1, s30  }
0xbc: {  	s0 =	sor.u32 s3, s0;
	s1 =	sshll.u32 s1, $0x11  }
0xbd: {  	s0 =	sor.u32 s1, s0  }
0xbe: {  	s0 =	sadd.s32 $0x8F2B, s0  }
0xbf: {  	[sflag:s0] =	ssyncadd.remote.s32 $0x1  }
0xc0: {  	_ =	sfence.sel $0xFFFF  }
0xc1: {  	[dreg:$0x0] =	wrdreg $0xFFFFFFFF;
	(pc) =	sbr.abs _section_cstart, $3  }
0xc2: {  	[dreg:$0x1] =	wrdreg $0xFFFFFFFF  }
0xc3: {  	_ =	task.clear_ibuf [dreg:s8], $0x2FFFF;
	_ =	strace $0x9FFFFFFF  }
0xc4: {  	(tm) =	ssettm $0x7FFFFFFF  }
0xc5: {  	_ =	shalt  }
tec
execute0_lowered:
.L_overlay_start_1:
0x0: {  	(tag) =	ssettag $0x1  }
0x1: {  	s3 =	rddreg [dreg:$0x0]  }
0x2: {  	s0 =	srdreg.scid;
	s6 =	rddreg [dreg:$0x1]  }
0x3: {  	s7 =	rddreg [dreg:$0x2];
	s1 =	stileid.u32  }
0x4: {  	s2 =	simm.s32 $0x0;
	s11 =	simm.s32 $0x138800;
	s12 =	simm.s32 $0x100  }
0x5: {  	s13 =	simm.s32 $0x2;
	s14 =	simm.s32 $0xF100;
	s4 =	sand.u32 $0x1, s0  }
0x6: {  	s15 =	simm.s32 $0x3;
	s16 =	simm.s32 $0x0;
	s5 =	sshll.u32 s4, $0x4  }
0x7: {  	s0 =	rddreg [dreg:$0x3];
	s4 =	ssub.s32 $0x2, s4;
	s5 =	sor.u32 s1, s5  }
0x8: {  	[smem:$0x7FF] =	sst s2;
	s8 =	sshrl.u32 s4, $0x1;
	s5 =	smul.u32 $0x1400, s5  }
0x9: {  	s3 =	sadd.s32 $0x400, s3;
	_ =	strace $0x80000047;
	s8 =	ssub.s32 s4, s8  }
0xa: {  	s8 =	smax.u32 s8, $0x1;
	s9 =	smin.u32 s5, $0x25D00;
	s5 =	smin.u32 s5, $0x26700  }
0xb: {  	s9 =	sadd.s32 $0xA00, s9;
	s4 =	sadd.s32 s6, s5;
	s5 =	sshrl.u32 s5, $0x2  }
0xc: {  	s10 =	sshrl.u32 s9, $0x2;
	s5 =	sadd.s32 s7, s5;
	s6 =	sadd.s32 s6, s9  }
0xd: {  	s9 =	simm.s32 $0x1;
	s7 =	sadd.s32 s7, s10;
	s10 =	simm.s32 $0x5000  }
.LBB2_1:
0xe: {  	[tilespmem:s2], [sflag:$0x1] =	stream.linear.gather [hbm4b:s3+s2], $0x100, $0x38;
	[tilespmem:$0x10500] =	vst v63  }
0xf: {  	_ =	swait.ge [sflag:s9], $0x100  }
0x10: {  	[sflag:s9] =	ssyncset.done $0x0  }
0x11: {  	[sflag:s9] =	ssyncadd.s32 $0xFFFFFF00  }
0x12: {  	v32 =	vld [tilespmem:$0x0]  }
0x13: {  	v37 =	vld [tilespmem:$0x10]  }
0x14: {  	v33 =	vld [tilespmem:$0x80]  }
0x15: {  	v39 =	vld [tilespmem:$0x90];
	[tilespmem:s12], [sflag:$0x2] =	stream.strided.gather [hbm4b:s4+s10], $0xF000, s11, s10, $0x38  }
0x16: {  	s17 =	simm.s32 $0x0;
	_ =	swait.ge [sflag:s13], $0xF000  }
0x17: {  	s20 =	sand.u32 $0x70, s2;
	s17 =	sand.u32 $0x3FFFFC00, s17;
	[sflag:s13] =	ssyncset.done $0x0  }
0x18: {  	s17 =	sor.u32 s20, s17;
	[sflag:s13] =	ssyncadd.s32 $0xFFFF1000  }
0x19: {  	v6 =	vld [tilespmem:s17+$0x100];
	_ =	sdelay $0x1  }
0x1a: {  	v8 =	vld [tilespmem:s17+$0x180]  }
0x1b: {  	v0 =	vbroadcast v37, $0x3;
	v4 =	vbroadcast v33, $0x0  }
0x1c: {  	v10 =	vld [tilespmem:s17+$0x200];
	v1 =	vbroadcast v39, $0x3;
	v3 =	vbroadcast v32, $0x0  }
0x1d: {  	v5 =	vbroadcast v33, $0x1;
	v9 =	vmul.f32 v6, v4  }
0x1e: {  	v12 =	vld [tilespmem:s17+$0x280];
	v2 =	vbroadcast v32, $0x1;
	v11 =	vmul.f32 v6, v3  }
0x1f: {  	v7 =	vbroadcast v33, $0x2;
	v14 =	vmul.f32 v8, v5;
	v13 =	vadd.f32 v9, v1  }
0x20: {  	v15 =	vld [tilespmem:s17+$0x300];
	v6 =	vbroadcast v32, $0x2;
	v16 =	vmul.f32 v8, v2;
	v11 =	vadd.f32 v11, v0  }
0x21: {  	v9 =	vbroadcast v33, $0x3;
	v13 =	vadd.f32 v14, v13;
	v14 =	vmul.f32 v10, v7  }
0x22: {  	v17 =	vld [tilespmem:s17+$0x380];
	v8 =	vbroadcast v32, $0x3;
	v18 =	vmul.f32 v10, v6;
	v16 =	vadd.f32 v16, v11  }
0x23: {  	v11 =	vbroadcast v33, $0x4;
	v19 =	vmul.f32 v12, v9;
	v14 =	vadd.f32 v14, v13  }
0x24: {  	v20 =	vld [tilespmem:s17+$0x400];
	v10 =	vbroadcast v32, $0x4;
	v16 =	vadd.f32 v18, v16;
	v18 =	vmul.f32 v12, v8  }
0x25: {  	v13 =	vbroadcast v33, $0x5;
	v14 =	vadd.f32 v19, v14;
	v19 =	vmul.f32 v15, v11  }
0x26: {  	v21 =	vld [tilespmem:s17+$0x480];
	v12 =	vbroadcast v32, $0x5;
	v16 =	vadd.f32 v18, v16;
	v18 =	vmul.f32 v15, v10  }
0x27: {  	v15 =	vbroadcast v33, $0x6;
	v22 =	vmul.f32 v17, v13;
	v19 =	vadd.f32 v19, v14  }
0x28: {  	v23 =	vld [tilespmem:s17+$0x5100];
	v24 =	vmul.f32 v17, v12;
	v14 =	vbroadcast v32, $0x6;
	v18 =	vadd.f32 v18, v16  }
0x29: {  	v17 =	vbroadcast v33, $0x7;
	v25 =	vmul.f32 v20, v15;
	v22 =	vadd.f32 v22, v19  }
0x2a: {  	v26 =	vld [tilespmem:s17+$0x5180];
	v16 =	vbroadcast v32, $0x7;
	v24 =	vadd.f32 v24, v18;
	v20 =	vmul.f32 v20, v14  }
0x2b: {  	v19 =	vbroadcast v33, $0x8;
	v22 =	vadd.f32 v25, v22;
	v25 =	vmul.f32 v21, v17  }
0x2c: {  	v27 =	vld [tilespmem:s17+$0x5200];
	v18 =	vbroadcast v32, $0x8;
	v28 =	vmul.f32 v21, v16;
	v24 =	vadd.f32 v20, v24  }
0x2d: {  	v21 =	vbroadcast v33, $0x9;
	v22 =	vadd.f32 v25, v22;
	v25 =	vmul.f32 v23, v19  }
0x2e: {  	v29 =	vld [tilespmem:s17+$0x5280];
	v20 =	vbroadcast v32, $0x9;
	v24 =	vadd.f32 v28, v24;
	v28 =	vmul.f32 v23, v18  }
0x2f: {  	v23 =	vbroadcast v33, $0xA;
	v31 =	vmul.f32 v26, v21;
	v30 =	vadd.f32 v25, v22  }
0x30: {  	v34 =	vld [tilespmem:s17+$0x5300];
	v26 =	vmul.f32 v26, v20;
	v22 =	vbroadcast v32, $0xA;
	v28 =	vadd.f32 v28, v24  }
0x31: {  	v25 =	vbroadcast v33, $0xB;
	v30 =	vadd.f32 v31, v30;
	v31 =	vmul.f32 v27, v23  }
0x32: {  	v35 =	vld [tilespmem:s17+$0x5380];
	v24 =	vbroadcast v32, $0xB;
	v28 =	vadd.f32 v26, v28;
	v36 =	vmul.f32 v27, v22  }
0x33: {  	v27 =	vbroadcast v33, $0xC;
	v30 =	vadd.f32 v31, v30;
	v31 =	vmul.f32 v29, v25  }
0x34: {  	v38 =	vld [tilespmem:s17+$0x5400];
	v26 =	vbroadcast v32, $0xC;
	v40 =	vmul.f32 v29, v24;
	v36 =	vadd.f32 v36, v28  }
0x35: {  	v29 =	vbroadcast v33, $0xD;
	v41 =	vmul.f32 v34, v27;
	v30 =	vadd.f32 v31, v30  }
0x36: {  	v42 =	vld [tilespmem:s17+$0x5480];
	v28 =	vbroadcast v32, $0xD;
	v34 =	vmul.f32 v34, v26;
	v36 =	vadd.f32 v40, v36  }
0x37: {  	v31 =	vbroadcast v33, $0xE;
	v56 =	vmul.f32 v35, v29;
	v55 =	vadd.f32 v41, v30  }
0x38: {  	v43 =	vld [tilespmem:s17+$0xA100];
	v35 =	vmul.f32 v35, v28;
	v30 =	vbroadcast v32, $0xE;
	v34 =	vadd.f32 v34, v36  }
0x39: {  	v33 =	vbroadcast v33, $0xF;
	v58 =	vmul.f32 v38, v31;
	v57 =	vadd.f32 v56, v55  }
0x3a: {  	v59 =	vld [tilespmem:s17+$0xA180];
	v32 =	vbroadcast v32, $0xF;
	v44 =	vadd.f32 v35, v34;
	v38 =	vmul.f32 v38, v30  }
0x3b: {  	v45 =	vmul.f32 v42, v33;
	v34 =	vbroadcast v39, $0x0;
	v40 =	vadd.f32 v58, v57  }
0x3c: {  	v46 =	vld [tilespmem:s17+$0xA200];
	v35 =	vbroadcast v37, $0x0;
	v42 =	vmul.f32 v42, v32;
	v44 =	vadd.f32 v38, v44  }
0x3d: {  	v36 =	vbroadcast v39, $0x1;
	v60 =	vmul.f32 v43, v34;
	v40 =	vadd.f32 v45, v40  }
0x3e: {  	v38 =	vbroadcast v37, $0x1;
	v43 =	vmul.f32 v43, v35;
	v42 =	vadd.f32 v42, v44  }
0x3f: {  	v61 =	vmul.f32 v59, v36;
	v39 =	vbroadcast v39, $0x2;
	v40 =	vadd.f32 v60, v40  }
0x40: {  	v37 =	vbroadcast v37, $0x2;
	v41 =	vmul.f32 v59, v38;
	v42 =	vadd.f32 v43, v42  }
0x41: {  	v62 =	vmul.f32 v46, v39;
	v40 =	vadd.f32 v61, v40  }
0x42: {  	s18 =	simm.s32 $0x0;
	v63 =	vmul.f32 v46, v37;
	v41 =	vadd.f32 v41, v42  }
0x43: {  	s21 =	simm.s32 $0x80;
	s19 =	simm.s32 $0x2;
	s22 =	sand.u32 $0x3FFFFF00, s18;
	v40 =	vadd.f32 v62, v40  }
0x44: {  	s18 =	simm.s32 $0x10;
	s22 =	sor.u32 s20, s22;
	s17 =	simm.s32 $0x1;
	v41 =	vadd.f32 v63, v41  }
.LBB2_2:
0x45: {  	p0 =	sne.s32 s19, $0x9F;
	s20 =	sand.u32 $0x70, s18;
	s21 =	sand.u32 $0x3FFFFC00, s21;
	[tilespmem:s22+$0xF180] =	vst v40  }
0x46: {  	s21 =	sor.u32 s20, s21;
	[tilespmem:s22+$0xF100] =	vst v41  }
0x47: {  	v40 =	vld [tilespmem:s21+$0x100]  }
0x48: {  	v41 =	vld [tilespmem:s21+$0x200]  }
0x49: {  	v42 =	vld [tilespmem:s21+$0x180]  }
0x4a: {  	v43 =	vld [tilespmem:s21+$0x280]  }
0x4b: {  	v44 =	vld [tilespmem:s21+$0x300]  }
0x4c: {  	v45 =	vmul.f32 v40, v3;
	v40 =	vmul.f32 v40, v4;
	v46 =	vld [tilespmem:s21+$0x380]  }
0x4d: {  	v47 =	vld [tilespmem:s21+$0x400]  }
0x4e: {  	v45 =	vadd.f32 v45, v0;
	v40 =	vadd.f32 v40, v1;
	v48 =	vmul.f32 v42, v5;
	v49 =	vld [tilespmem:s21+$0x480]  }
0x4f: {  	v42 =	vmul.f32 v42, v2;
	v50 =	vld [tilespmem:s21+$0x5100]  }
0x50: {  	v40 =	vadd.f32 v48, v40;
	v48 =	vmul.f32 v41, v7;
	v51 =	vld [tilespmem:s21+$0x5180]  }
0x51: {  	v42 =	vadd.f32 v42, v45;
	v41 =	vmul.f32 v41, v6;
	v45 =	vld [tilespmem:s21+$0x5200]  }
0x52: {  	v40 =	vadd.f32 v48, v40;
	v48 =	vmul.f32 v43, v9;
	v52 =	vld [tilespmem:s21+$0x5280]  }
0x53: {  	v41 =	vadd.f32 v41, v42;
	v42 =	vmul.f32 v43, v8;
	v43 =	vld [tilespmem:s21+$0x5300]  }
0x54: {  	v40 =	vadd.f32 v48, v40;
	v48 =	vmul.f32 v44, v11;
	v53 =	vld [tilespmem:s21+$0x5380]  }
0x55: {  	v41 =	vadd.f32 v42, v41;
	v42 =	vmul.f32 v44, v10;
	v44 =	vld [tilespmem:s21+$0x5400]  }
0x56: {  	v40 =	vadd.f32 v48, v40;
	v48 =	vmul.f32 v46, v13;
	v54 =	vld [tilespmem:s21+$0x5480]  }
0x57: {  	v41 =	vadd.f32 v42, v41;
	v42 =	vmul.f32 v46, v12;
	v46 =	vld [tilespmem:s21+$0xA100]  }
0x58: {  	v40 =	vadd.f32 v48, v40;
	v48 =	vmul.f32 v47, v15;
	v55 =	vld [tilespmem:s21+$0xA180]  }
0x59: {  	v41 =	vadd.f32 v42, v41;
	v42 =	vmul.f32 v47, v14;
	v47 =	vld [tilespmem:s21+$0xA200]  }
0x5a: {  	v40 =	vadd.f32 v48, v40;
	v48 =	vmul.f32 v49, v17  }
0x5b: {  	v41 =	vadd.f32 v42, v41;
	v42 =	vmul.f32 v49, v16  }
0x5c: {  	v40 =	vadd.f32 v48, v40;
	v48 =	vmul.f32 v50, v19  }
0x5d: {  	v41 =	vadd.f32 v42, v41;
	v42 =	vmul.f32 v50, v18  }
0x5e: {  	v40 =	vadd.f32 v48, v40;
	v48 =	vmul.f32 v51, v21  }
0x5f: {  	v41 =	vadd.f32 v42, v41;
	v42 =	vmul.f32 v51, v20  }
0x60: {  	v40 =	vadd.f32 v48, v40;
	v48 =	vmul.f32 v45, v23  }
0x61: {  	v41 =	vadd.f32 v42, v41;
	v42 =	vmul.f32 v45, v22  }
0x62: {  	v45 =	vmul.f32 v52, v25;
	v40 =	vadd.f32 v48, v40  }
0x63: {  	v41 =	vadd.f32 v42, v41;
	v42 =	vmul.f32 v52, v24  }
0x64: {  	v40 =	vadd.f32 v45, v40;
	v45 =	vmul.f32 v43, v27  }
0x65: {  	v41 =	vadd.f32 v42, v41;
	v42 =	vmul.f32 v43, v26  }
0x66: {  	v43 =	vmul.f32 v53, v29;
	v40 =	vadd.f32 v45, v40  }
0x67: {  	v41 =	vadd.f32 v42, v41;
	v42 =	vmul.f32 v53, v28  }
0x68: {  	v40 =	vadd.f32 v43, v40;
	v43 =	vmul.f32 v44, v31  }
0x69: {  	v41 =	vadd.f32 v42, v41;
	v42 =	vmul.f32 v44, v30  }
0x6a: {  	v40 =	vadd.f32 v43, v40;
	v43 =	vmul.f32 v54, v33  }
0x6b: {  	v41 =	vadd.f32 v42, v41;
	v42 =	vmul.f32 v54, v32  }
0x6c: {  	v40 =	vadd.f32 v43, v40;
	v43 =	vmul.f32 v46, v34  }
0x6d: {  	v41 =	vadd.f32 v42, v41;
	v42 =	vmul.f32 v46, v35  }
0x6e: {  	v40 =	vadd.f32 v43, v40;
	v43 =	vmul.f32 v55, v36  }
.Ltmp0:
0x6f: {  	v41 =	vadd.f32 v42, v41;
	v42 =	vmul.f32 v55, v38;
	(pc) =	sbr.rel @p0 .LBB2_2-.Ltmp0, $4  }
0x70: {  	v40 =	vadd.f32 v43, v40;
	v43 =	vmul.f32 v47, v39  }
0x71: {  	s21 =	sshll.u32 s17, $0x5;
	s17 =	smov.u32 s19;
	v41 =	vadd.f32 v42, v41;
	v42 =	vmul.f32 v47, v37  }
0x72: {  	s18 =	sadd.s32 $0x10, s18;
	s22 =	sand.u32 $0x3FFFFF00, s21;
	v40 =	vadd.f32 v43, v40  }
0x73: {  	s19 =	sadd.s32 $0x1, s19;
	s21 =	sshll.u32 s17, $0x7;
	s22 =	sor.u32 s20, s22;
	v41 =	vadd.f32 v42, v41  }
0x74: {  	s18 =	sand.u32 $0x70, s18;
	s19 =	sand.u32 $0x3FFFFC00, s21;
	[tilespmem:s22+$0xF180] =	vst v40  }
0x75: {  	s19 =	sor.u32 s18, s19;
	[tilespmem:s22+$0xF100] =	vst v41  }
0x76: {  	v40 =	vld [tilespmem:s19+$0x100];
	_ =	sdelay $0x1  }
0x77: {  	v41 =	vld [tilespmem:s19+$0x180];
	_ =	sdelay $0x1  }
0x78: {  	v42 =	vld [tilespmem:s19+$0x200]  }
0x79: {  	v43 =	vmul.f32 v40, v4  }
0x7a: {  	v44 =	vld [tilespmem:s19+$0x280];
	v40 =	vmul.f32 v40, v3  }
0x7b: {  	v45 =	vmul.f32 v41, v5;
	v43 =	vadd.f32 v43, v1  }
0x7c: {  	v46 =	vld [tilespmem:s19+$0x300];
	v41 =	vmul.f32 v41, v2;
	v40 =	vadd.f32 v40, v0  }
0x7d: {  	v57 =	vmul.f32 v42, v7;
	v43 =	vadd.f32 v45, v43  }
0x7e: {  	v47 =	vld [tilespmem:s19+$0x380];
	v58 =	vmul.f32 v42, v6;
	v40 =	vadd.f32 v41, v40  }
0x7f: {  	v60 =	vmul.f32 v44, v9;
	v59 =	vadd.f32 v57, v43  }
0x80: {  	v61 =	vld [tilespmem:s19+$0x400];
	v62 =	vmul.f32 v44, v8;
	v40 =	vadd.f32 v58, v40  }
0x81: {  	v63 =	vmul.f32 v46, v11;
	v42 =	vadd.f32 v60, v59  }
0x82: {  	v48 =	vld [tilespmem:s19+$0x480];
	v49 =	vmul.f32 v46, v10;
	v40 =	vadd.f32 v62, v40  }
0x83: {  	v50 =	vmul.f32 v47, v13;
	v42 =	vadd.f32 v63, v42  }
0x84: {  	v51 =	vld [tilespmem:s19+$0x5100];
	v52 =	vmul.f32 v47, v12;
	v40 =	vadd.f32 v49, v40  }
0x85: {  	v53 =	vmul.f32 v61, v15;
	v42 =	vadd.f32 v50, v42  }
0x86: {  	v54 =	vld [tilespmem:s19+$0x5180];
	v55 =	vmul.f32 v61, v14;
	v40 =	vadd.f32 v52, v40  }
0x87: {  	v56 =	vmul.f32 v48, v17;
	v42 =	vadd.f32 v53, v42  }
0x88: {  	v57 =	vld [tilespmem:s19+$0x5200];
	v58 =	vmul.f32 v48, v16;
	v40 =	vadd.f32 v55, v40  }
0x89: {  	v59 =	vmul.f32 v51, v19;
	v42 =	vadd.f32 v56, v42  }
0x8a: {  	v61 =	vmul.f32 v51, v18;
	v60 =	vld [tilespmem:s19+$0x5280];
	v40 =	vadd.f32 v58, v40  }
0x8b: {  	v62 =	vmul.f32 v54, v21;
	v42 =	vadd.f32 v59, v42  }
0x8c: {  	v48 =	vmul.f32 v54, v20;
	v63 =	vld [tilespmem:s19+$0x5300];
	v40 =	vadd.f32 v61, v40  }
0x8d: {  	v49 =	vmul.f32 v57, v23;
	v42 =	vadd.f32 v62, v42  }
0x8e: {  	v51 =	vmul.f32 v57, v22;
	v50 =	vld [tilespmem:s19+$0x5380];
	v40 =	vadd.f32 v48, v40  }
0x8f: {  	v52 =	vmul.f32 v60, v25;
	v42 =	vadd.f32 v49, v42  }
0x90: {  	v54 =	vmul.f32 v60, v24;
	v53 =	vld [tilespmem:s19+$0x5400];
	v40 =	vadd.f32 v51, v40  }
0x91: {  	v55 =	vmul.f32 v63, v27;
	v42 =	vadd.f32 v52, v42  }
0x92: {  	v57 =	vmul.f32 v63, v26;
	v56 =	vld [tilespmem:s19+$0x5480];
	v40 =	vadd.f32 v54, v40  }
0x93: {  	v58 =	vmul.f32 v50, v29;
	v42 =	vadd.f32 v55, v42  }
0x94: {  	v60 =	vmul.f32 v50, v28;
	v59 =	vld [tilespmem:s19+$0xA100];
	v40 =	vadd.f32 v57, v40  }
0x95: {  	v61 =	vmul.f32 v53, v31;
	v42 =	vadd.f32 v58, v42  }
0x96: {  	v63 =	vmul.f32 v53, v30;
	v62 =	vld [tilespmem:s19+$0xA180];
	v40 =	vadd.f32 v60, v40  }
0x97: {  	v48 =	vmul.f32 v56, v33;
	v42 =	vadd.f32 v61, v42  }
0x98: {  	v50 =	vmul.f32 v56, v32;
	v49 =	vld [tilespmem:s19+$0xA200];
	v40 =	vadd.f32 v63, v40  }
0x99: {  	v51 =	vmul.f32 v59, v34;
	v42 =	vadd.f32 v48, v42  }
0x9a: {  	v52 =	vmul.f32 v59, v35;
	v40 =	vadd.f32 v50, v40  }
0x9b: {  	v53 =	vmul.f32 v62, v36;
	v42 =	vadd.f32 v51, v42  }
0x9c: {  	v54 =	vmul.f32 v62, v38;
	v40 =	vadd.f32 v52, v40  }
0x9d: {  	v55 =	vmul.f32 v49, v39;
	v42 =	vadd.f32 v53, v42  }
0x9e: {  	s17 =	sshll.u32 s17, $0x5;
	v56 =	vmul.f32 v49, v37;
	v40 =	vadd.f32 v54, v40  }
0x9f: {  	s17 =	sand.u32 $0x3FFFFF00, s17;
	v42 =	vadd.f32 v55, v42  }
0xa0: {  	s17 =	sor.u32 s18, s17;
	v40 =	vadd.f32 v56, v40  }
0xa1: {  	[tilespmem:s17+$0xF180] =	vst v42  }
0xa2: {  	s26 =	simm.s32 $0x0;
	[tilespmem:s17+$0xF100] =	vst v40  }
0xa3: {  	[hbm4b:s5+s26] =	stream.linear.scatter [tilespmem:s14], [sflag:$0x3], $0x1400, $0x38;
	[tilespmem:$0x10500] =	vst v63  }
0xa4: {  	_ =	swait.ge [sflag:s15], $0x1400  }
0xa5: {  	[sflag:s15] =	ssyncset.done $0x0  }
0xa6: {  	[sflag:s15] =	ssyncadd.s32 $0xFFFFEC00  }
0xa7: {  	[tilespmem:s12], [sflag:$0x2] =	stream.strided.gather [hbm4b:s6+s10], $0xF000, s11, s10, $0x38;
	[tilespmem:$0x10500] =	vst v63  }
0xa8: {  	s28 =	simm.s32 $0x0;
	_ =	swait.ge [sflag:s13], $0xF000  }
0xa9: {  	s20 =	sand.u32 $0x70, s26;
	s29 =	sand.u32 $0x3FFFFC00, s28;
	[sflag:s13] =	ssyncset.done $0x0  }
0xaa: {  	s17 =	sor.u32 s20, s29;
	[sflag:s13] =	ssyncadd.s32 $0xFFFF1000  }
0xab: {  	v57 =	vld [tilespmem:s17+$0x100];
	_ =	sdelay $0x1  }
0xac: {  	v58 =	vld [tilespmem:s17+$0x180];
	_ =	sdelay $0x1  }
0xad: {  	v59 =	vld [tilespmem:s17+$0x200]  }
0xae: {  	v60 =	vmul.f32 v57, v4  }
0xaf: {  	v61 =	vld [tilespmem:s17+$0x280];
	v40 =	vmul.f32 v57, v3  }
0xb0: {  	v62 =	vmul.f32 v58, v5;
	v43 =	vadd.f32 v60, v1  }
0xb1: {  	v63 =	vld [tilespmem:s17+$0x300];
	v41 =	vmul.f32 v58, v2;
	v40 =	vadd.f32 v40, v0  }
0xb2: {  	v48 =	vmul.f32 v59, v7;
	v43 =	vadd.f32 v62, v43  }
0xb3: {  	v49 =	vld [tilespmem:s17+$0x380];
	v50 =	vmul.f32 v59, v6;
	v40 =	vadd.f32 v41, v40  }
0xb4: {  	v52 =	vmul.f32 v61, v9;
	v51 =	vadd.f32 v48, v43  }
0xb5: {  	v53 =	vld [tilespmem:s17+$0x400];
	v54 =	vmul.f32 v61, v8;
	v40 =	vadd.f32 v50, v40  }
0xb6: {  	v55 =	vmul.f32 v63, v11;
	v42 =	vadd.f32 v52, v51  }
0xb7: {  	v56 =	vld [tilespmem:s17+$0x480];
	v57 =	vmul.f32 v63, v10;
	v40 =	vadd.f32 v54, v40  }
0xb8: {  	v58 =	vmul.f32 v49, v13;
	v42 =	vadd.f32 v55, v42  }
0xb9: {  	v59 =	vld [tilespmem:s17+$0x5100];
	v60 =	vmul.f32 v49, v12;
	v40 =	vadd.f32 v57, v40  }
0xba: {  	v61 =	vmul.f32 v53, v15;
	v42 =	vadd.f32 v58, v42  }
0xbb: {  	v63 =	vmul.f32 v53, v14;
	v62 =	vld [tilespmem:s17+$0x5180];
	v40 =	vadd.f32 v60, v40  }
0xbc: {  	v48 =	vmul.f32 v56, v17;
	v42 =	vadd.f32 v61, v42  }
0xbd: {  	v49 =	vld [tilespmem:s17+$0x5200];
	v50 =	vmul.f32 v56, v16;
	v40 =	vadd.f32 v63, v40  }
0xbe: {  	v51 =	vmul.f32 v59, v19;
	v42 =	vadd.f32 v48, v42  }
0xbf: {  	v53 =	vmul.f32 v59, v18;
	v52 =	vld [tilespmem:s17+$0x5280];
	v40 =	vadd.f32 v50, v40  }
0xc0: {  	v54 =	vmul.f32 v62, v21;
	v42 =	vadd.f32 v51, v42  }
0xc1: {  	v56 =	vmul.f32 v62, v20;
	v55 =	vld [tilespmem:s17+$0x5300];
	v40 =	vadd.f32 v53, v40  }
0xc2: {  	v57 =	vmul.f32 v49, v23;
	v42 =	vadd.f32 v54, v42  }
0xc3: {  	v59 =	vmul.f32 v49, v22;
	v58 =	vld [tilespmem:s17+$0x5380];
	v40 =	vadd.f32 v56, v40  }
0xc4: {  	v60 =	vmul.f32 v52, v25;
	v42 =	vadd.f32 v57, v42  }
0xc5: {  	v62 =	vmul.f32 v52, v24;
	v61 =	vld [tilespmem:s17+$0x5400];
	v40 =	vadd.f32 v59, v40  }
0xc6: {  	v63 =	vmul.f32 v55, v27;
	v42 =	vadd.f32 v60, v42  }
0xc7: {  	v49 =	vmul.f32 v55, v26;
	v48 =	vld [tilespmem:s17+$0x5480];
	v40 =	vadd.f32 v62, v40  }
0xc8: {  	v50 =	vmul.f32 v58, v29;
	v42 =	vadd.f32 v63, v42  }
0xc9: {  	v52 =	vmul.f32 v58, v28;
	v51 =	vld [tilespmem:s17+$0xA100];
	v40 =	vadd.f32 v49, v40  }
0xca: {  	v53 =	vmul.f32 v61, v31;
	v42 =	vadd.f32 v50, v42  }
0xcb: {  	v55 =	vmul.f32 v61, v30;
	v54 =	vld [tilespmem:s17+$0xA180];
	v40 =	vadd.f32 v52, v40  }
0xcc: {  	v56 =	vmul.f32 v48, v33;
	v42 =	vadd.f32 v53, v42  }
0xcd: {  	v58 =	vld [tilespmem:s17+$0xA200];
	v57 =	vmul.f32 v48, v32;
	v40 =	vadd.f32 v55, v40  }
0xce: {  	v59 =	vmul.f32 v51, v34;
	v42 =	vadd.f32 v56, v42  }
0xcf: {  	v60 =	vmul.f32 v51, v35;
	v40 =	vadd.f32 v57, v40  }
0xd0: {  	v61 =	vmul.f32 v54, v36;
	v42 =	vadd.f32 v59, v42  }
0xd1: {  	v62 =	vmul.f32 v54, v38;
	v40 =	vadd.f32 v60, v40  }
0xd2: {  	v63 =	vmul.f32 v58, v39;
	v42 =	vadd.f32 v61, v42  }
0xd3: {  	s30 =	simm.s32 $0x0;
	v44 =	vmul.f32 v58, v37;
	v41 =	vadd.f32 v62, v40  }
0xd4: {  	s21 =	simm.s32 $0x80;
	s31 =	sand.u32 $0x3FFFFF00, s30;
	s18 =	simm.s32 $0x10;
	v40 =	vadd.f32 v63, v42  }
0xd5: {  	s22 =	sor.u32 s20, s31;
	s19 =	simm.s32 $0x2;
	s17 =	simm.s32 $0x1;
	v41 =	vadd.f32 v44, v41  }
.LBB2_4:
0xd6: {  	p0 =	sne.s32 s19, $0x9F;
	s20 =	sand.u32 $0x70, s18;
	s21 =	sand.u32 $0x3FFFFC00, s21;
	[tilespmem:s22+$0xF180] =	vst v40  }
0xd7: {  	s21 =	sor.u32 s20, s21;
	[tilespmem:s22+$0xF100] =	vst v41  }
0xd8: {  	v40 =	vld [tilespmem:s21+$0x100]  }
0xd9: {  	v41 =	vld [tilespmem:s21+$0x200]  }
0xda: {  	v42 =	vld [tilespmem:s21+$0x180]  }
0xdb: {  	v43 =	vld [tilespmem:s21+$0x280]  }
0xdc: {  	v44 =	vld [tilespmem:s21+$0x300]  }
0xdd: {  	v45 =	vmul.f32 v40, v3;
	v40 =	vmul.f32 v40, v4;
	v46 =	vld [tilespmem:s21+$0x380]  }
0xde: {  	v47 =	vld [tilespmem:s21+$0x400]  }
0xdf: {  	v45 =	vadd.f32 v45, v0;
	v40 =	vadd.f32 v40, v1;
	v48 =	vmul.f32 v42, v5;
	v49 =	vld [tilespmem:s21+$0x480]  }
0xe0: {  	v42 =	vmul.f32 v42, v2;
	v50 =	vld [tilespmem:s21+$0x5100]  }
0xe1: {  	v40 =	vadd.f32 v48, v40;
	v48 =	vmul.f32 v41, v7;
	v51 =	vld [tilespmem:s21+$0x5180]  }
0xe2: {  	v42 =	vadd.f32 v42, v45;
	v41 =	vmul.f32 v41, v6;
	v45 =	vld [tilespmem:s21+$0x5200]  }
0xe3: {  	v40 =	vadd.f32 v48, v40;
	v48 =	vmul.f32 v43, v9;
	v52 =	vld [tilespmem:s21+$0x5280]  }
0xe4: {  	v41 =	vadd.f32 v41, v42;
	v42 =	vmul.f32 v43, v8;
	v43 =	vld [tilespmem:s21+$0x5300]  }
0xe5: {  	v40 =	vadd.f32 v48, v40;
	v48 =	vmul.f32 v44, v11;
	v53 =	vld [tilespmem:s21+$0x5380]  }
0xe6: {  	v41 =	vadd.f32 v42, v41;
	v42 =	vmul.f32 v44, v10;
	v44 =	vld [tilespmem:s21+$0x5400]  }
0xe7: {  	v40 =	vadd.f32 v48, v40;
	v48 =	vmul.f32 v46, v13;
	v54 =	vld [tilespmem:s21+$0x5480]  }
0xe8: {  	v41 =	vadd.f32 v42, v41;
	v42 =	vmul.f32 v46, v12;
	v46 =	vld [tilespmem:s21+$0xA100]  }
0xe9: {  	v40 =	vadd.f32 v48, v40;
	v48 =	vmul.f32 v47, v15;
	v55 =	vld [tilespmem:s21+$0xA180]  }
0xea: {  	v41 =	vadd.f32 v42, v41;
	v42 =	vmul.f32 v47, v14;
	v47 =	vld [tilespmem:s21+$0xA200]  }
0xeb: {  	v40 =	vadd.f32 v48, v40;
	v48 =	vmul.f32 v49, v17  }
0xec: {  	v41 =	vadd.f32 v42, v41;
	v42 =	vmul.f32 v49, v16  }
0xed: {  	v40 =	vadd.f32 v48, v40;
	v48 =	vmul.f32 v50, v19  }
0xee: {  	v41 =	vadd.f32 v42, v41;
	v42 =	vmul.f32 v50, v18  }
0xef: {  	v40 =	vadd.f32 v48, v40;
	v48 =	vmul.f32 v51, v21  }
0xf0: {  	v41 =	vadd.f32 v42, v41;
	v42 =	vmul.f32 v51, v20  }
0xf1: {  	v40 =	vadd.f32 v48, v40;
	v48 =	vmul.f32 v45, v23  }
0xf2: {  	v41 =	vadd.f32 v42, v41;
	v42 =	vmul.f32 v45, v22  }
0xf3: {  	v45 =	vmul.f32 v52, v25;
	v40 =	vadd.f32 v48, v40  }
0xf4: {  	v41 =	vadd.f32 v42, v41;
	v42 =	vmul.f32 v52, v24  }
0xf5: {  	v40 =	vadd.f32 v45, v40;
	v45 =	vmul.f32 v43, v27  }
0xf6: {  	v41 =	vadd.f32 v42, v41;
	v42 =	vmul.f32 v43, v26  }
0xf7: {  	v43 =	vmul.f32 v53, v29;
	v40 =	vadd.f32 v45, v40  }
0xf8: {  	v41 =	vadd.f32 v42, v41;
	v42 =	vmul.f32 v53, v28  }
0xf9: {  	v40 =	vadd.f32 v43, v40;
	v43 =	vmul.f32 v44, v31  }
0xfa: {  	v41 =	vadd.f32 v42, v41;
	v42 =	vmul.f32 v44, v30  }
0xfb: {  	v40 =	vadd.f32 v43, v40;
	v43 =	vmul.f32 v54, v33  }
0xfc: {  	v41 =	vadd.f32 v42, v41;
	v42 =	vmul.f32 v54, v32  }
0xfd: {  	v40 =	vadd.f32 v43, v40;
	v43 =	vmul.f32 v46, v34  }
0xfe: {  	v41 =	vadd.f32 v42, v41;
	v42 =	vmul.f32 v46, v35  }
0xff: {  	v40 =	vadd.f32 v43, v40;
	v43 =	vmul.f32 v55, v36  }
.Ltmp1:
0x100: {  	v41 =	vadd.f32 v42, v41;
	v42 =	vmul.f32 v55, v38;
	(pc) =	sbr.rel @p0 .LBB2_4-.Ltmp1, $4  }
0x101: {  	v40 =	vadd.f32 v43, v40;
	v43 =	vmul.f32 v47, v39  }
0x102: {  	s21 =	sshll.u32 s17, $0x5;
	s17 =	smov.u32 s19;
	v41 =	vadd.f32 v42, v41;
	v42 =	vmul.f32 v47, v37  }
0x103: {  	s18 =	sadd.s32 $0x10, s18;
	s22 =	sand.u32 $0x3FFFFF00, s21;
	v40 =	vadd.f32 v43, v40  }
0x104: {  	s19 =	sadd.s32 $0x1, s19;
	s21 =	sshll.u32 s17, $0x7;
	s22 =	sor.u32 s20, s22;
	v41 =	vadd.f32 v42, v41  }
0x105: {  	s18 =	sand.u32 $0x70, s18;
	s19 =	sand.u32 $0x3FFFFC00, s21;
	[tilespmem:s22+$0xF180] =	vst v40  }
0x106: {  	s19 =	sor.u32 s18, s19;
	[tilespmem:s22+$0xF100] =	vst v41  }
0x107: {  	v40 =	vld [tilespmem:s19+$0x100];
	_ =	sdelay $0x1  }
0x108: {  	v41 =	vld [tilespmem:s19+$0x180];
	_ =	sdelay $0x1  }
0x109: {  	v42 =	vld [tilespmem:s19+$0x200]  }
0x10a: {  	v4 =	vmul.f32 v40, v4  }
0x10b: {  	v43 =	vld [tilespmem:s19+$0x280];
	v3 =	vmul.f32 v40, v3  }
0x10c: {  	v51 =	vmul.f32 v41, v5;
	v1 =	vadd.f32 v4, v1  }
0x10d: {  	v52 =	vld [tilespmem:s19+$0x300];
	v2 =	vmul.f32 v41, v2;
	v0 =	vadd.f32 v3, v0  }
0x10e: {  	v53 =	vmul.f32 v42, v7;
	v1 =	vadd.f32 v51, v1  }
0x10f: {  	v54 =	vld [tilespmem:s19+$0x380];
	v55 =	vmul.f32 v42, v6;
	v0 =	vadd.f32 v2, v0  }
0x110: {  	v56 =	vmul.f32 v43, v9;
	v1 =	vadd.f32 v53, v1  }
0x111: {  	v57 =	vld [tilespmem:s19+$0x400];
	v58 =	vmul.f32 v43, v8;
	v0 =	vadd.f32 v55, v0  }
0x112: {  	v59 =	vmul.f32 v52, v11;
	v1 =	vadd.f32 v56, v1  }
0x113: {  	v60 =	vld [tilespmem:s19+$0x480];
	v61 =	vmul.f32 v52, v10;
	v0 =	vadd.f32 v58, v0  }
0x114: {  	v62 =	vmul.f32 v54, v13;
	v1 =	vadd.f32 v59, v1  }
0x115: {  	v63 =	vld [tilespmem:s19+$0x5100];
	v8 =	vmul.f32 v54, v12;
	v0 =	vadd.f32 v61, v0  }
0x116: {  	v9 =	vmul.f32 v57, v15;
	v1 =	vadd.f32 v62, v1  }
0x117: {  	v10 =	vld [tilespmem:s19+$0x5180];
	v11 =	vmul.f32 v57, v14;
	v0 =	vadd.f32 v8, v0  }
0x118: {  	v12 =	vmul.f32 v60, v17;
	v1 =	vadd.f32 v9, v1  }
0x119: {  	v13 =	vld [tilespmem:s19+$0x5200];
	v14 =	vmul.f32 v60, v16;
	v0 =	vadd.f32 v11, v0  }
0x11a: {  	v15 =	vmul.f32 v63, v19;
	v1 =	vadd.f32 v12, v1  }
0x11b: {  	v16 =	vld [tilespmem:s19+$0x5280];
	v17 =	vmul.f32 v63, v18;
	v0 =	vadd.f32 v14, v0  }
0x11c: {  	v18 =	vmul.f32 v10, v21;
	v1 =	vadd.f32 v15, v1  }
0x11d: {  	v19 =	vld [tilespmem:s19+$0x5300];
	v21 =	vmul.f32 v10, v20;
	v0 =	vadd.f32 v17, v0  }
0x11e: {  	v40 =	vmul.f32 v13, v23;
	v1 =	vadd.f32 v18, v1  }
0x11f: {  	v41 =	vld [tilespmem:s19+$0x5380];
	v42 =	vmul.f32 v13, v22;
	v0 =	vadd.f32 v21, v0  }
0x120: {  	v43 =	vmul.f32 v16, v25;
	v1 =	vadd.f32 v40, v1  }
0x121: {  	v44 =	vld [tilespmem:s19+$0x5400];
	v45 =	vmul.f32 v16, v24;
	v0 =	vadd.f32 v42, v0  }
0x122: {  	v46 =	vmul.f32 v19, v27;
	v1 =	vadd.f32 v43, v1  }
0x123: {  	v47 =	vld [tilespmem:s19+$0x5480];
	v48 =	vmul.f32 v19, v26;
	v0 =	vadd.f32 v45, v0  }
0x124: {  	v49 =	vmul.f32 v41, v29;
	v1 =	vadd.f32 v46, v1  }
0x125: {  	v50 =	vld [tilespmem:s19+$0xA100];
	v51 =	vmul.f32 v41, v28;
	v0 =	vadd.f32 v48, v0  }
0x126: {  	v52 =	vmul.f32 v44, v31;
	v1 =	vadd.f32 v49, v1  }
0x127: {  	v54 =	vmul.f32 v44, v30;
	v53 =	vld [tilespmem:s19+$0xA180];
	v0 =	vadd.f32 v51, v0  }
0x128: {  	v55 =	vmul.f32 v47, v33;
	v1 =	vadd.f32 v52, v1  }
0x129: {  	v57 =	vmul.f32 v47, v32;
	v56 =	vld [tilespmem:s19+$0xA200];
	v0 =	vadd.f32 v54, v0  }
0x12a: {  	v58 =	vmul.f32 v50, v34;
	v1 =	vadd.f32 v55, v1  }
0x12b: {  	v59 =	vmul.f32 v50, v35;
	v0 =	vadd.f32 v57, v0  }
0x12c: {  	v60 =	vmul.f32 v53, v36;
	v1 =	vadd.f32 v58, v1  }
0x12d: {  	v61 =	vmul.f32 v53, v38;
	v0 =	vadd.f32 v59, v0  }
0x12e: {  	v62 =	vmul.f32 v56, v39;
	v1 =	vadd.f32 v60, v1  }
0x12f: {  	s17 =	sshll.u32 s17, $0x5;
	v63 =	vmul.f32 v56, v37;
	v0 =	vadd.f32 v61, v0  }
0x130: {  	s17 =	sand.u32 $0x3FFFFF00, s17;
	v1 =	vadd.f32 v62, v1  }
0x131: {  	s16 =	sadd.s32 $0x1, s16;
	s17 =	sor.u32 s18, s17;
	v0 =	vadd.f32 v63, v0  }
0x132: {  	p0 =	sne.s32 s16, s8;
	[tilespmem:s17+$0xF180] =	vst v1  }
.Ltmp2:
0x133: {  	[tilespmem:s17+$0xF100] =	vst v0;
	(pc) =	sbr.rel @p0 .LBB2_1-.Ltmp2, $4  }
0x134: {  	[hbm4b:s7+s2] =	stream.linear.scatter [tilespmem:s14], [sflag:$0x3], $0x1400, $0x38;
	[tilespmem:$0x10500] =	vst v63  }
0x135: {  	_ =	swait.ge [sflag:s15], $0x1400  }
0x136: {  	[sflag:s15] =	ssyncset.done $0x0  }
0x137: {  	[sflag:s15] =	ssyncadd.s32 $0xFFFFEC00  }
0x138: {  	_ =	sfence.sel $0x180000  }
0x139: {  	[bflag:$0x0] =	sbarrier.arrive $0xFFFF  }
0x13a: {  	p0 =	sne.s32 s1, $0x0;
	_ =	strace $0x90000047  }
0x13b: {  	s0 =	sadd.s32 @!p0 $0x100000, s0;
	[bflag:$0x2] =	sbarrier.arrive $0xFFFF  }
0x13c: {  	[sflag:s0] =	ssyncadd.tile.s32 @!p0 $0x1;
	_ =	shalt  }
.Lfunc_end2:
_tile_overlayer_lowered:
.L_overlay_start_2:
0x13d: {  	(tag) =	ssettag $0x2  }
0x13e: {  	s0 =	rddreg [dreg:$0x0];
	s2 =	stileid.u32  }
0x13f: {  	s1 =	rddreg [dreg:$0x1];
	p0 =	sne.s32 s2, $0x0  }
0x140: {  	s3 =	rddreg [dreg:$0x2];
	[bflag:$0x3] =	sbarrier.arrive $0xFFFF;
	s2 =	simm.s32 @!p0 $0x1C04  }
0x141: {  	[timem:s3], [sflag:s2] =	dma.local @!p0 [hbm:s0], s1  }
0x142: {  	s0 =	simm.s32 @!p0 $0x4  }
0x143: {  	_ =	swait.ge @!p0 [sflag:s0], s1  }
0x144: {  	s1 =	ssub.s32 @!p0 $0x0, s1;
	[sflag:s0] =	ssyncset.done @!p0 $0x0  }
0x145: {  	[sflag:s0] =	ssyncadd.s32 @!p0 s1  }
0x146: {  	[bflag:$0x3] =	sbarrier.arrive $0xFFFF  }
0x147: {  	_ =	shalt  }

</sc_bundles>
